<compile_context>
chip_gen: v7x
topology: tpu7x:2x2x1
jax: 0.10.2.dev20260603
libtpu: 0.0.44.dev20260713+nightly
codegen_flags: <defaults>
</compile_context>

<pallas_src>
import functools

import jax
import jax.numpy as jnp
from jax import lax
from jax.experimental import pallas as pl
from jax.experimental.pallas import tpu as pltpu
from jax.experimental.pallas import tpu_sc as plsc

NC, NS = 2, 16
NW = NC * NS
D = 128
CHUNK = 128
ZROWS = 128


def _make_seg_sum(n_src, n_edges, n_dst_pad):
    epw = n_edges // NW
    n_full = epw // CHUNK
    tail = epw - n_full * CHUNK
    rpt = n_dst_pad // NS
    nz = rpt // ZROWS

    mesh = plsc.VectorSubcoreMesh(
        core_axis_name="c", subcore_axis_name="s",
        num_cores=NC, num_subcores=NS)

    @functools.partial(
        pl.kernel,
        out_type=(
            jax.ShapeDtypeStruct((NC * n_dst_pad, D), jnp.float32),
            jax.ShapeDtypeStruct((NW, n_dst_pad), jnp.float32),
        ),
        mesh=mesh,
        compiler_params=pltpu.CompilerParams(needs_layout_passes=False),
        scratch_types=[
            pltpu.VMEM((ZROWS, D), jnp.float32),
            pltpu.VMEM((n_dst_pad,), jnp.float32),
            pltpu.VMEM((CHUNK,), jnp.int32),
            pltpu.VMEM((CHUNK,), jnp.int32),
            pltpu.VMEM((tail,), jnp.int32),
            pltpu.VMEM((tail,), jnp.int32),
            pltpu.VMEM((CHUNK, D), jnp.float32),
            pltpu.VMEM((tail, D), jnp.float32),
            pltpu.VMEM_SHARED((n_dst_pad, D), jnp.float32),
            pltpu.SemaphoreType.DMA,
        ],
    )
    def seg_sum(x_hbm, src_hbm, dst_hbm, z128_hbm, zcnt_hbm,
                sum_out, cnt_out,
                zf_v, cnt_v, is_v, id_v, is_t, id_t,
                rows_v, rows_t, sh_sum, sem):
        cid = lax.axis_index("c")
        sid = lax.axis_index("s")
        wid = sid * NC + cid

        pltpu.sync_copy(z128_hbm, zf_v)
        pltpu.sync_copy(zcnt_hbm, cnt_v)
        for k in range(nz):
            off = sid * rpt + k * ZROWS
            pltpu.sync_copy(zf_v, sh_sum.at[pl.ds(off, ZROWS)])
        plsc.subcore_barrier()

        base = wid * epw
        ones16 = jnp.ones((16,), jnp.float32)

        def count(idx_ref, m):
            for j in range(m // 16):
                dvec = idx_ref[pl.ds(j * 16, 16)]
                plsc.addupdate_scatter(cnt_v, [dvec], ones16)

        def body(i, carry):
            off = base + i * CHUNK
            pltpu.sync_copy(src_hbm.at[pl.ds(off, CHUNK)], is_v)
            pltpu.sync_copy(dst_hbm.at[pl.ds(off, CHUNK)], id_v)
            pltpu.async_copy(x_hbm.at[is_v], rows_v, sem).wait()
            pltpu.sync_copy(rows_v, sh_sum.at[id_v], add=True)
            count(id_v, CHUNK)
            return carry

        lax.fori_loop(0, n_full, body, 0)

        toff = base + n_full * CHUNK
        pltpu.sync_copy(src_hbm.at[pl.ds(toff, tail)], is_t)
        pltpu.sync_copy(dst_hbm.at[pl.ds(toff, tail)], id_t)
        pltpu.async_copy(x_hbm.at[is_t], rows_t, sem).wait()
        pltpu.sync_copy(rows_t, sh_sum.at[id_t], add=True)
        count(id_t, tail)

        plsc.subcore_barrier()

        obase = cid * n_dst_pad + sid * rpt
        pltpu.sync_copy(sh_sum.at[pl.ds(sid * rpt, rpt)],
                        sum_out.at[pl.ds(obase, rpt)])
        pltpu.sync_copy(cnt_v, cnt_out.at[wid])

    return seg_sum


def _tc_body(act, sum0, sum1, cnt, xr, wl, wr, br, o):
    s = sum0[...] + sum1[...]
    c = jnp.maximum(jnp.sum(cnt[...], axis=0), 1.0)
    agg = s / c[:, None]
    y = (lax.dot_general(agg, wl[...], (((1,), (1,)), ((), ())),
                         preferred_element_type=jnp.float32)
         + lax.dot_general(xr[...], wr[...], (((1,), (1,)), ((), ())),
                           preferred_element_type=jnp.float32)
         + br[...])
    o[...] = act(y)


def _make_dense(n_dst_pad, act):
    B = 1024
    grid = n_dst_pad // B
    nblk = grid

    def call(sum_flat, cnt_parts, x_dst, wl, wr, b2d):
        return pl.pallas_call(
            functools.partial(_tc_body, act),
            grid=(grid,),
            in_specs=[
                pl.BlockSpec((B, D), lambda i: (i, 0)),
                pl.BlockSpec((B, D), lambda i: (i + nblk, 0)),
                pl.BlockSpec((NW, B), lambda i: (0, i)),
                pl.BlockSpec((B, D), lambda i: (i, 0)),
                pl.BlockSpec((D, D), lambda i: (0, 0)),
                pl.BlockSpec((D, D), lambda i: (0, 0)),
                pl.BlockSpec((1, D), lambda i: (0, 0)),
            ],
            out_specs=pl.BlockSpec((B, D), lambda i: (i, 0)),
            out_shape=jax.ShapeDtypeStruct((n_dst_pad, D), jnp.float32),
        )(sum_flat, sum_flat, cnt_parts, x_dst, wl, wr, b2d)

    return call


N0, N1, N2 = 50000, 10000, 2000
E1, E2 = 320000, 64000
P1, P2 = 10240, 2048

_seg1 = _make_seg_sum(N0, E1, P1)
_seg2 = _make_seg_sum(P1, E2, P2)
_dense1 = _make_dense(P1, jax.nn.relu)
_dense2 = _make_dense(P2, jax.nn.sigmoid)


def kernel(x, edge_index1, edge_index2, W1l, W1r, b1, W2l, W2r, b2):
    z128 = jnp.zeros((ZROWS, D), jnp.float32)
    zc1 = jnp.zeros((P1,), jnp.float32)
    zc2 = jnp.zeros((P2,), jnp.float32)

    sum1, cnt1 = _seg1(x, edge_index1[0], edge_index1[1], z128, zc1)
    h = _dense1(sum1, cnt1, x, W1l, W1r, b1.reshape(1, D))
    sum2, cnt2 = _seg2(h, edge_index2[0], edge_index2[1], z128, zc2)
    out = _dense2(sum2, cnt2, h, W2l, W2r, b2.reshape(1, D))
    return out[:N2]

# --- scband reference (transcript-rebuilt; emitter-appended) ---
"""Pipeline reference for scband-sage-75625784148122 (READ-ONLY COPY).

The authoritative reference and input builder live on the scoring server;
editing this copy changes nothing except your own understanding.
"""

import jax, jax.numpy as jnp
import numpy as np

N0, N1, N2 = 50000, 10000, 2000
E1, E2 = 320000, 64000
D_IN, D_HID, D_OUT = 128, 128, 128


def setup_inputs(seed: int = 0) -> dict:
    key = jax.random.key(seed)
    ks = jax.random.split(key, 10)
    x = jax.random.normal(ks[0], (N0, D_IN), dtype=jnp.float32)
    # edge_index rows must index valid src (< layer src count) and dst (< layer dst count);
    # bound both rows by the dst count so the same fill works for both rows.
    edge_index1 = jax.random.randint(ks[1], (2, E1), 0, N1, dtype=jnp.int32)
    edge_index2 = jax.random.randint(ks[2], (2, E2), 0, N2, dtype=jnp.int32)
    s_in = 1.0 / np.sqrt(D_IN)
    s_hid = 1.0 / np.sqrt(D_HID)
    W1l = jax.random.normal(ks[3], (D_HID, D_IN), dtype=jnp.float32) * s_in
    W1r = jax.random.normal(ks[4], (D_HID, D_IN), dtype=jnp.float32) * s_in
    b1 = jnp.zeros((D_HID,), dtype=jnp.float32)
    W2l = jax.random.normal(ks[5], (D_OUT, D_HID), dtype=jnp.float32) * s_hid
    W2r = jax.random.normal(ks[6], (D_OUT, D_HID), dtype=jnp.float32) * s_hid
    b2 = jnp.zeros((D_OUT,), dtype=jnp.float32)
    return {"x": x, "edge_index1": edge_index1, "edge_index2": edge_index2,
            "W1l": W1l, "W1r": W1r, "b1": b1, "W2l": W2l, "W2r": W2r, "b2": b2}


def _sage_conv(x_src, x_dst, edge_index, Wl, Wr, b, n_dst):
    # PyG SAGEConv (bipartite, mean aggregation):
    #   out = lin_l(mean_{j in N(i)} x_j) + lin_r(x_i)
    src = edge_index[0]
    dst = edge_index[1]
    msgs = jnp.take(x_src, src, axis=0)                       # gather  [E, d]
    agg_sum = jax.ops.segment_sum(msgs, dst, num_segments=n_dst)  # scatter-add
    cnt = jax.ops.segment_sum(jnp.ones((msgs.shape[0],), jnp.float32), dst,
                              num_segments=n_dst)
    agg = agg_sum / jnp.clip(cnt, 1.0, None)[:, None]
    return agg @ Wl.T + b + x_dst @ Wr.T


def reference(x, edge_index1, edge_index2, W1l, W1r, b1, W2l, W2r, b2):
    # layer 1: (x, x[:N1]) over edge_index1, size=(N0, N1)
    x_t1 = x[:N1]
    h = _sage_conv(x, x_t1, edge_index1, W1l, W1r, b1, N1)
    h = jax.nn.relu(h)
    # layer 2: (h, h[:N2]) over edge_index2, size=(N1, N2)
    h_t2 = h[:N2]
    out = _sage_conv(h, h_t2, edge_index2, W2l, W2r, b2, N2)
    return jax.nn.sigmoid(out)

if __name__ == "__main__":
    import jax
    _d = setup_inputs()
    print(jax.jit(kernel)(*tuple(_d.values())))

</pallas_src>

<mosaic_0001>
#map = affine_map<(d0, d1) -> (0, 0)>
#map1 = affine_map<(d0, d1) -> (0)>
module attributes {stable_mosaic.version = 14 : i64} {
  func.func @seg_sum(%arg0: i32, %arg1: i32, %arg2: memref<10240x128xf32, #tpu.memory_space<hbm>>, %arg3: memref<64000xi32, #tpu.memory_space<hbm>>, %arg4: memref<64000xi32, #tpu.memory_space<hbm>>, %arg5: memref<128x128xf32, #tpu.memory_space<hbm>>, %arg6: memref<2048xf32, #tpu.memory_space<hbm>>, %arg7: memref<4096x128xf32, #tpu.memory_space<hbm>>, %arg8: memref<32x2048xf32, #tpu.memory_space<hbm>>, %arg9: memref<128x128xf32, #tpu.memory_space<vmem>>, %arg10: memref<2048xf32, #tpu.memory_space<vmem>>, %arg11: memref<128xi32, #tpu.memory_space<vmem>>, %arg12: memref<128xi32, #tpu.memory_space<vmem>>, %arg13: memref<80xi32, #tpu.memory_space<vmem>>, %arg14: memref<80xi32, #tpu.memory_space<vmem>>, %arg15: memref<128x128xf32, #tpu.memory_space<vmem>>, %arg16: memref<80x128xf32, #tpu.memory_space<vmem>>, %arg17: memref<2048x128xf32, #tpu.memory_space<vmem_shared>>, %arg18: memref<!tpu.dma_semaphore, #tpu.memory_space<semaphore_mem>>) attributes {dimension_semantics = [#tpu.dimension_semantics<core_parallel>, #tpu.dimension_semantics<subcore_parallel>], iteration_bounds = array<i64: 2, 16>, scalar_prefetch = 0 : i64, scratch_operands = 10 : i64, tpu.core_type = #tpu.core_type<sc_vector_subcore>, window_params = [{transform_indices = #map}, {transform_indices = #map1}, {transform_indices = #map1}, {transform_indices = #map}, {transform_indices = #map1}, {transform_indices = #map}, {transform_indices = #map}]} {
    %mul3A = arith.constant 2 : i32
    %mul3A_0 = arith.muli %arg1, %mul3A : i32
    %add3A = arith.addi %mul3A_0, %arg0 : i32
    "tpu.region"() ({
      %run_scoped3A = tpu.sem_alloc : memref<!tpu.dma_semaphore, #tpu.memory_space<semaphore_mem>>
      tpu.enqueue_dma source(%arg5 : memref<128x128xf32, #tpu.memory_space<hbm>>) target(%arg9 : memref<128x128xf32, #tpu.memory_space<vmem>>) target_semaphore(%run_scoped3A : memref<!tpu.dma_semaphore, #tpu.memory_space<semaphore_mem>>)
      tpu.wait_dma2 semaphore(%run_scoped3A : memref<!tpu.dma_semaphore, #tpu.memory_space<semaphore_mem>>) src(%arg5 : memref<128x128xf32, #tpu.memory_space<hbm>>) dst(%arg9 : memref<128x128xf32, #tpu.memory_space<vmem>>)
      tpu.yield
    }) : () -> ()
    "tpu.region"() ({
      %run_scoped3A = tpu.sem_alloc : memref<!tpu.dma_semaphore, #tpu.memory_space<semaphore_mem>>
      tpu.enqueue_dma source(%arg6 : memref<2048xf32, #tpu.memory_space<hbm>>) target(%arg10 : memref<2048xf32, #tpu.memory_space<vmem>>) target_semaphore(%run_scoped3A : memref<!tpu.dma_semaphore, #tpu.memory_space<semaphore_mem>>)
      tpu.wait_dma2 semaphore(%run_scoped3A : memref<!tpu.dma_semaphore, #tpu.memory_space<semaphore_mem>>) src(%arg6 : memref<2048xf32, #tpu.memory_space<hbm>>) dst(%arg10 : memref<2048xf32, #tpu.memory_space<vmem>>)
      tpu.yield
    }) : () -> ()
    %mul3A_1 = arith.constant 128 : i32
    %mul3A_2 = arith.muli %arg1, %mul3A_1 : i32
    %add3A_3 = arith.constant 0 : i32
    %add3A_4 = arith.addi %mul3A_2, %add3A_3 : i32
    "tpu.region"() ({
      %run_scoped3A = tpu.sem_alloc : memref<!tpu.dma_semaphore, #tpu.memory_space<semaphore_mem>>
      %dma_start3A_36 = arith.constant 0 : i32
      %dma_start3A_37 = tpu.memref_slice %arg17[%add3A_4, %dma_start3A_36] : memref<2048x128xf32, #tpu.memory_space<vmem_shared>> -> memref<128x128xf32, #tpu.memory_space<vmem_shared>>
      %dma_start3A_38 = arith.constant 0 : i32
      %dma_start3A_39 = tpu.memref_slice %arg17[%add3A_4, %dma_start3A_38] : memref<2048x128xf32, #tpu.memory_space<vmem_shared>> -> memref<128x128xf32, #tpu.memory_space<vmem_shared>>
      tpu.enqueue_dma source(%arg9 : memref<128x128xf32, #tpu.memory_space<vmem>>) target(%dma_start3A_39 : memref<128x128xf32, #tpu.memory_space<vmem_shared>>) target_semaphore(%run_scoped3A : memref<!tpu.dma_semaphore, #tpu.memory_space<semaphore_mem>>)
      %dma_wait3A_40 = arith.constant 0 : i32
      %dma_wait3A_41 = tpu.memref_slice %arg17[%add3A_4, %dma_wait3A_40] : memref<2048x128xf32, #tpu.memory_space<vmem_shared>> -> memref<128x128xf32, #tpu.memory_space<vmem_shared>>
      %dma_wait3A_42 = arith.constant 0 : i32
      %dma_wait3A_43 = tpu.memref_slice %arg17[%add3A_4, %dma_wait3A_42] : memref<2048x128xf32, #tpu.memory_space<vmem_shared>> -> memref<128x128xf32, #tpu.memory_space<vmem_shared>>
      tpu.wait_dma2 semaphore(%run_scoped3A : memref<!tpu.dma_semaphore, #tpu.memory_space<semaphore_mem>>) src(%arg9 : memref<128x128xf32, #tpu.memory_space<vmem>>) dst(%dma_wait3A_43 : memref<128x128xf32, #tpu.memory_space<vmem_shared>>)
      tpu.yield
    }) : () -> ()
    %barrier3A = arith.constant 0 : index
    tpu.barrier barrier_id(%barrier3A)
    %mul3A_5 = arith.constant 2000 : i32
    %mul3A_6 = arith.muli %add3A, %mul3A_5 : i32
    %broadcast_in_dim3A = arith.constant 1.000000e+00 : f32
    %broadcast_in_dim3A_7 = vector.broadcast %broadcast_in_dim3A : f32 to vector<16xf32>
    %scan3A = arith.constant 0 : i32
    %scan3A_8 = arith.constant 0 : i32
    %scan3A_9 = arith.constant 15 : i32
    %scan3A_10 = arith.addi %scan3A_8, %scan3A_9 : i32
    %scan3A_11 = arith.constant 1 : i32
    scf.for %scan3A_36 = %scan3A_8 to %scan3A_10 step %scan3A_11  : i32 {
      %mul3A_37 = arith.constant 128 : i32
      %mul3A_38 = arith.muli %scan3A_36, %mul3A_37 : i32
      %add3A_39 = arith.addi %mul3A_6, %mul3A_38 : i32
      "tpu.region"() ({
        %run_scoped3A = tpu.sem_alloc : memref<!tpu.dma_semaphore, #tpu.memory_space<semaphore_mem>>
        %dma_start3A_62 = tpu.memref_slice %arg3[%add3A_39] : memref<64000xi32, #tpu.memory_space<hbm>> -> memref<128xi32, #tpu.memory_space<hbm>>
        %dma_start3A_63 = tpu.memref_slice %arg3[%add3A_39] : memref<64000xi32, #tpu.memory_space<hbm>> -> memref<128xi32, #tpu.memory_space<hbm>>
        tpu.enqueue_dma source(%dma_start3A_63 : memref<128xi32, #tpu.memory_space<hbm>>) target(%arg11 : memref<128xi32, #tpu.memory_space<vmem>>) target_semaphore(%run_scoped3A : memref<!tpu.dma_semaphore, #tpu.memory_space<semaphore_mem>>)
        %dma_wait3A_64 = tpu.memref_slice %arg3[%add3A_39] : memref<64000xi32, #tpu.memory_space<hbm>> -> memref<128xi32, #tpu.memory_space<hbm>>
        %dma_wait3A_65 = tpu.memref_slice %arg3[%add3A_39] : memref<64000xi32, #tpu.memory_space<hbm>> -> memref<128xi32, #tpu.memory_space<hbm>>
        tpu.wait_dma2 semaphore(%run_scoped3A : memref<!tpu.dma_semaphore, #tpu.memory_space<semaphore_mem>>) src(%dma_wait3A_65 : memref<128xi32, #tpu.memory_space<hbm>>) dst(%arg11 : memref<128xi32, #tpu.memory_space<vmem>>)
        tpu.yield
      }) : () -> ()
      "tpu.region"() ({
        %run_scoped3A = tpu.sem_alloc : memref<!tpu.dma_semaphore, #tpu.memory_space<semaphore_mem>>
        %dma_start3A_62 = tpu.memref_slice %arg4[%add3A_39] : memref<64000xi32, #tpu.memory_space<hbm>> -> memref<128xi32, #tpu.memory_space<hbm>>
        %dma_start3A_63 = tpu.memref_slice %arg4[%add3A_39] : memref<64000xi32, #tpu.memory_space<hbm>> -> memref<128xi32, #tpu.memory_space<hbm>>
        tpu.enqueue_dma source(%dma_start3A_63 : memref<128xi32, #tpu.memory_space<hbm>>) target(%arg12 : memref<128xi32, #tpu.memory_space<vmem>>) target_semaphore(%run_scoped3A : memref<!tpu.dma_semaphore, #tpu.memory_space<semaphore_mem>>)
        %dma_wait3A_64 = tpu.memref_slice %arg4[%add3A_39] : memref<64000xi32, #tpu.memory_space<hbm>> -> memref<128xi32, #tpu.memory_space<hbm>>
        %dma_wait3A_65 = tpu.memref_slice %arg4[%add3A_39] : memref<64000xi32, #tpu.memory_space<hbm>> -> memref<128xi32, #tpu.memory_space<hbm>>
        tpu.wait_dma2 semaphore(%run_scoped3A : memref<!tpu.dma_semaphore, #tpu.memory_space<semaphore_mem>>) src(%dma_wait3A_65 : memref<128xi32, #tpu.memory_space<hbm>>) dst(%arg12 : memref<128xi32, #tpu.memory_space<vmem>>)
        tpu.yield
      }) : () -> ()
      %dma_start3A_40 = arith.constant 0 : i32
      %dma_start3A_41 = arith.constant 0 : i32
      %dma_start3A_42 = tpu.memref_slice %arg2[%dma_start3A_40, %dma_start3A_41] : memref<10240x128xf32, #tpu.memory_space<hbm>> -> memref<10240x128xf32, #tpu.memory_space<hbm>>
      tpu.enqueue_indirect_dma source(%dma_start3A_42 : memref<10240x128xf32, #tpu.memory_space<hbm>>) target(%arg15 : memref<128x128xf32, #tpu.memory_space<vmem>>) offsets(%arg11 : memref<128xi32, #tpu.memory_space<vmem>>) semaphore(%arg18 : memref<!tpu.dma_semaphore, #tpu.memory_space<semaphore_mem>>)
      %dma_wait3A_43 = arith.constant 0 : i32
      %dma_wait3A_44 = arith.constant 0 : i32
      %dma_wait3A_45 = tpu.memref_slice %arg2[%dma_wait3A_43, %dma_wait3A_44] : memref<10240x128xf32, #tpu.memory_space<hbm>> -> memref<10240x128xf32, #tpu.memory_space<hbm>>
      tpu.wait_indirect_dma semaphore(%arg18 : memref<!tpu.dma_semaphore, #tpu.memory_space<semaphore_mem>>) src(%dma_wait3A_45 : memref<10240x128xf32, #tpu.memory_space<hbm>>) dst(%arg15 : memref<128x128xf32, #tpu.memory_space<vmem>>)
      "tpu.region"() ({
        %run_scoped3A = tpu.sem_alloc : memref<!tpu.dma_semaphore, #tpu.memory_space<semaphore_mem>>
        %dma_start3A_62 = arith.constant 0 : i32
        %dma_start3A_63 = arith.constant 0 : i32
        %dma_start3A_64 = tpu.memref_slice %arg17[%dma_start3A_62, %dma_start3A_63] : memref<2048x128xf32, #tpu.memory_space<vmem_shared>> -> memref<2048x128xf32, #tpu.memory_space<vmem_shared>>
        tpu.enqueue_indirect_dma source(%arg15 : memref<128x128xf32, #tpu.memory_space<vmem>>) target(%dma_start3A_64 : memref<2048x128xf32, #tpu.memory_space<vmem_shared>>) offsets(%arg12 : memref<128xi32, #tpu.memory_space<vmem>>) semaphore(%run_scoped3A : memref<!tpu.dma_semaphore, #tpu.memory_space<semaphore_mem>>) {add = true}
        %dma_wait3A_65 = arith.constant 0 : i32
        %dma_wait3A_66 = arith.constant 0 : i32
        %dma_wait3A_67 = tpu.memref_slice %arg17[%dma_wait3A_65, %dma_wait3A_66] : memref<2048x128xf32, #tpu.memory_space<vmem_shared>> -> memref<2048x128xf32, #tpu.memory_space<vmem_shared>>
        tpu.wait_indirect_dma semaphore(%run_scoped3A : memref<!tpu.dma_semaphore, #tpu.memory_space<semaphore_mem>>) src(%arg15 : memref<128x128xf32, #tpu.memory_space<vmem>>) dst(%dma_wait3A_67 : memref<2048x128xf32, #tpu.memory_space<vmem_shared>>)
        tpu.yield
      }) : () -> ()
      %get3A_46 = arith.constant 0 : index
      %get3A_47 = tpu.vector_load %arg12[%get3A_46] {strides = array<i32>} : memref<128xi32, #tpu.memory_space<vmem>>, vector<16xi32>,
      tpu.vector_store_idx %arg10[%get3A_47], %broadcast_in_dim3A_7 {add = true} : memref<2048xf32, #tpu.memory_space<vmem>>[vector<16xi32>], vector<16xf32>,
      %get3A_48 = arith.constant 16 : index
      %get3A_49 = tpu.vector_load %arg12[%get3A_48] {strides = array<i32>} : memref<128xi32, #tpu.memory_space<vmem>>, vector<16xi32>,
      tpu.vector_store_idx %arg10[%get3A_49], %broadcast_in_dim3A_7 {add = true} : memref<2048xf32, #tpu.memory_space<vmem>>[vector<16xi32>], vector<16xf32>,
      %get3A_50 = arith.constant 32 : index
      %get3A_51 = tpu.vector_load %arg12[%get3A_50] {strides = array<i32>} : memref<128xi32, #tpu.memory_space<vmem>>, vector<16xi32>,
      tpu.vector_store_idx %arg10[%get3A_51], %broadcast_in_dim3A_7 {add = true} : memref<2048xf32, #tpu.memory_space<vmem>>[vector<16xi32>], vector<16xf32>,
      %get3A_52 = arith.constant 48 : index
      %get3A_53 = tpu.vector_load %arg12[%get3A_52] {strides = array<i32>} : memref<128xi32, #tpu.memory_space<vmem>>, vector<16xi32>,
      tpu.vector_store_idx %arg10[%get3A_53], %broadcast_in_dim3A_7 {add = true} : memref<2048xf32, #tpu.memory_space<vmem>>[vector<16xi32>], vector<16xf32>,
      %get3A_54 = arith.constant 64 : index
      %get3A_55 = tpu.vector_load %arg12[%get3A_54] {strides = array<i32>} : memref<128xi32, #tpu.memory_space<vmem>>, vector<16xi32>,
      tpu.vector_store_idx %arg10[%get3A_55], %broadcast_in_dim3A_7 {add = true} : memref<2048xf32, #tpu.memory_space<vmem>>[vector<16xi32>], vector<16xf32>,
      %get3A_56 = arith.constant 80 : index
      %get3A_57 = tpu.vector_load %arg12[%get3A_56] {strides = array<i32>} : memref<128xi32, #tpu.memory_space<vmem>>, vector<16xi32>,
      tpu.vector_store_idx %arg10[%get3A_57], %broadcast_in_dim3A_7 {add = true} : memref<2048xf32, #tpu.memory_space<vmem>>[vector<16xi32>], vector<16xf32>,
      %get3A_58 = arith.constant 96 : index
      %get3A_59 = tpu.vector_load %arg12[%get3A_58] {strides = array<i32>} : memref<128xi32, #tpu.memory_space<vmem>>, vector<16xi32>,
      tpu.vector_store_idx %arg10[%get3A_59], %broadcast_in_dim3A_7 {add = true} : memref<2048xf32, #tpu.memory_space<vmem>>[vector<16xi32>], vector<16xf32>,
      %get3A_60 = arith.constant 112 : index
      %get3A_61 = tpu.vector_load %arg12[%get3A_60] {strides = array<i32>} : memref<128xi32, #tpu.memory_space<vmem>>, vector<16xi32>,
      tpu.vector_store_idx %arg10[%get3A_61], %broadcast_in_dim3A_7 {add = true} : memref<2048xf32, #tpu.memory_space<vmem>>[vector<16xi32>], vector<16xf32>,
    }
    %scan3A_12 = arith.constant 15 : i32
    %add3A_13 = arith.constant 1920 : i32
    %add3A_14 = arith.addi %mul3A_6, %add3A_13 : i32
    "tpu.region"() ({
      %run_scoped3A = tpu.sem_alloc : memref<!tpu.dma_semaphore, #tpu.memory_space<semaphore_mem>>
      %dma_start3A_36 = tpu.memref_slice %arg3[%add3A_14] : memref<64000xi32, #tpu.memory_space<hbm>> -> memref<80xi32, #tpu.memory_space<hbm>>
      %dma_start3A_37 = tpu.memref_slice %arg3[%add3A_14] : memref<64000xi32, #tpu.memory_space<hbm>> -> memref<80xi32, #tpu.memory_space<hbm>>
      tpu.enqueue_dma source(%dma_start3A_37 : memref<80xi32, #tpu.memory_space<hbm>>) target(%arg13 : memref<80xi32, #tpu.memory_space<vmem>>) target_semaphore(%run_scoped3A : memref<!tpu.dma_semaphore, #tpu.memory_space<semaphore_mem>>)
      %dma_wait3A_38 = tpu.memref_slice %arg3[%add3A_14] : memref<64000xi32, #tpu.memory_space<hbm>> -> memref<80xi32, #tpu.memory_space<hbm>>
      %dma_wait3A_39 = tpu.memref_slice %arg3[%add3A_14] : memref<64000xi32, #tpu.memory_space<hbm>> -> memref<80xi32, #tpu.memory_space<hbm>>
      tpu.wait_dma2 semaphore(%run_scoped3A : memref<!tpu.dma_semaphore, #tpu.memory_space<semaphore_mem>>) src(%dma_wait3A_39 : memref<80xi32, #tpu.memory_space<hbm>>) dst(%arg13 : memref<80xi32, #tpu.memory_space<vmem>>)
      tpu.yield
    }) : () -> ()
    "tpu.region"() ({
      %run_scoped3A = tpu.sem_alloc : memref<!tpu.dma_semaphore, #tpu.memory_space<semaphore_mem>>
      %dma_start3A_36 = tpu.memref_slice %arg4[%add3A_14] : memref<64000xi32, #tpu.memory_space<hbm>> -> memref<80xi32, #tpu.memory_space<hbm>>
      %dma_start3A_37 = tpu.memref_slice %arg4[%add3A_14] : memref<64000xi32, #tpu.memory_space<hbm>> -> memref<80xi32, #tpu.memory_space<hbm>>
      tpu.enqueue_dma source(%dma_start3A_37 : memref<80xi32, #tpu.memory_space<hbm>>) target(%arg14 : memref<80xi32, #tpu.memory_space<vmem>>) target_semaphore(%run_scoped3A : memref<!tpu.dma_semaphore, #tpu.memory_space<semaphore_mem>>)
      %dma_wait3A_38 = tpu.memref_slice %arg4[%add3A_14] : memref<64000xi32, #tpu.memory_space<hbm>> -> memref<80xi32, #tpu.memory_space<hbm>>
      %dma_wait3A_39 = tpu.memref_slice %arg4[%add3A_14] : memref<64000xi32, #tpu.memory_space<hbm>> -> memref<80xi32, #tpu.memory_space<hbm>>
      tpu.wait_dma2 semaphore(%run_scoped3A : memref<!tpu.dma_semaphore, #tpu.memory_space<semaphore_mem>>) src(%dma_wait3A_39 : memref<80xi32, #tpu.memory_space<hbm>>) dst(%arg14 : memref<80xi32, #tpu.memory_space<vmem>>)
      tpu.yield
    }) : () -> ()
    %dma_start3A = arith.constant 0 : i32
    %dma_start3A_15 = arith.constant 0 : i32
    %dma_start3A_16 = tpu.memref_slice %arg2[%dma_start3A, %dma_start3A_15] : memref<10240x128xf32, #tpu.memory_space<hbm>> -> memref<10240x128xf32, #tpu.memory_space<hbm>>
    tpu.enqueue_indirect_dma source(%dma_start3A_16 : memref<10240x128xf32, #tpu.memory_space<hbm>>) target(%arg16 : memref<80x128xf32, #tpu.memory_space<vmem>>) offsets(%arg13 : memref<80xi32, #tpu.memory_space<vmem>>) semaphore(%arg18 : memref<!tpu.dma_semaphore, #tpu.memory_space<semaphore_mem>>)
    %dma_wait3A = arith.constant 0 : i32
    %dma_wait3A_17 = arith.constant 0 : i32
    %dma_wait3A_18 = tpu.memref_slice %arg2[%dma_wait3A, %dma_wait3A_17] : memref<10240x128xf32, #tpu.memory_space<hbm>> -> memref<10240x128xf32, #tpu.memory_space<hbm>>
    tpu.wait_indirect_dma semaphore(%arg18 : memref<!tpu.dma_semaphore, #tpu.memory_space<semaphore_mem>>) src(%dma_wait3A_18 : memref<10240x128xf32, #tpu.memory_space<hbm>>) dst(%arg16 : memref<80x128xf32, #tpu.memory_space<vmem>>)
    "tpu.region"() ({
      %run_scoped3A = tpu.sem_alloc : memref<!tpu.dma_semaphore, #tpu.memory_space<semaphore_mem>>
      %dma_start3A_36 = arith.constant 0 : i32
      %dma_start3A_37 = arith.constant 0 : i32
      %dma_start3A_38 = tpu.memref_slice %arg17[%dma_start3A_36, %dma_start3A_37] : memref<2048x128xf32, #tpu.memory_space<vmem_shared>> -> memref<2048x128xf32, #tpu.memory_space<vmem_shared>>
      tpu.enqueue_indirect_dma source(%arg16 : memref<80x128xf32, #tpu.memory_space<vmem>>) target(%dma_start3A_38 : memref<2048x128xf32, #tpu.memory_space<vmem_shared>>) offsets(%arg14 : memref<80xi32, #tpu.memory_space<vmem>>) semaphore(%run_scoped3A : memref<!tpu.dma_semaphore, #tpu.memory_space<semaphore_mem>>) {add = true}
      %dma_wait3A_39 = arith.constant 0 : i32
      %dma_wait3A_40 = arith.constant 0 : i32
      %dma_wait3A_41 = tpu.memref_slice %arg17[%dma_wait3A_39, %dma_wait3A_40] : memref<2048x128xf32, #tpu.memory_space<vmem_shared>> -> memref<2048x128xf32, #tpu.memory_space<vmem_shared>>
      tpu.wait_indirect_dma semaphore(%run_scoped3A : memref<!tpu.dma_semaphore, #tpu.memory_space<semaphore_mem>>) src(%arg16 : memref<80x128xf32, #tpu.memory_space<vmem>>) dst(%dma_wait3A_41 : memref<2048x128xf32, #tpu.memory_space<vmem_shared>>)
      tpu.yield
    }) : () -> ()
    %get3A = arith.constant 0 : index
    %get3A_19 = tpu.vector_load %arg14[%get3A] {strides = array<i32>} : memref<80xi32, #tpu.memory_space<vmem>>, vector<16xi32>,
    tpu.vector_store_idx %arg10[%get3A_19], %broadcast_in_dim3A_7 {add = true} : memref<2048xf32, #tpu.memory_space<vmem>>[vector<16xi32>], vector<16xf32>,
    %get3A_20 = arith.constant 16 : index
    %get3A_21 = tpu.vector_load %arg14[%get3A_20] {strides = array<i32>} : memref<80xi32, #tpu.memory_space<vmem>>, vector<16xi32>,
    tpu.vector_store_idx %arg10[%get3A_21], %broadcast_in_dim3A_7 {add = true} : memref<2048xf32, #tpu.memory_space<vmem>>[vector<16xi32>], vector<16xf32>,
    %get3A_22 = arith.constant 32 : index
    %get3A_23 = tpu.vector_load %arg14[%get3A_22] {strides = array<i32>} : memref<80xi32, #tpu.memory_space<vmem>>, vector<16xi32>,
    tpu.vector_store_idx %arg10[%get3A_23], %broadcast_in_dim3A_7 {add = true} : memref<2048xf32, #tpu.memory_space<vmem>>[vector<16xi32>], vector<16xf32>,
    %get3A_24 = arith.constant 48 : index
    %get3A_25 = tpu.vector_load %arg14[%get3A_24] {strides = array<i32>} : memref<80xi32, #tpu.memory_space<vmem>>, vector<16xi32>,
    tpu.vector_store_idx %arg10[%get3A_25], %broadcast_in_dim3A_7 {add = true} : memref<2048xf32, #tpu.memory_space<vmem>>[vector<16xi32>], vector<16xf32>,
    %get3A_26 = arith.constant 64 : index
    %get3A_27 = tpu.vector_load %arg14[%get3A_26] {strides = array<i32>} : memref<80xi32, #tpu.memory_space<vmem>>, vector<16xi32>,
    tpu.vector_store_idx %arg10[%get3A_27], %broadcast_in_dim3A_7 {add = true} : memref<2048xf32, #tpu.memory_space<vmem>>[vector<16xi32>], vector<16xf32>,
    %barrier3A_28 = arith.constant 0 : index
    tpu.barrier barrier_id(%barrier3A_28)
    %mul3A_29 = arith.constant 2048 : i32
    %mul3A_30 = arith.muli %arg0, %mul3A_29 : i32
    %mul3A_31 = arith.constant 128 : i32
    %mul3A_32 = arith.muli %arg1, %mul3A_31 : i32
    %add3A_33 = arith.addi %mul3A_30, %mul3A_32 : i32
    %mul3A_34 = arith.constant 128 : i32
    %mul3A_35 = arith.muli %arg1, %mul3A_34 : i32
    "tpu.region"() ({
      %run_scoped3A = tpu.sem_alloc : memref<!tpu.dma_semaphore, #tpu.memory_space<semaphore_mem>>
      %dma_start3A_36 = arith.constant 0 : i32
      %dma_start3A_37 = tpu.memref_slice %arg7[%add3A_33, %dma_start3A_36] : memref<4096x128xf32, #tpu.memory_space<hbm>> -> memref<128x128xf32, #tpu.memory_space<hbm>>
      %dma_start3A_38 = arith.constant 0 : i32
      %dma_start3A_39 = tpu.memref_slice %arg17[%mul3A_35, %dma_start3A_38] : memref<2048x128xf32, #tpu.memory_space<vmem_shared>> -> memref<128x128xf32, #tpu.memory_space<vmem_shared>>
      tpu.enqueue_dma source(%dma_start3A_39 : memref<128x128xf32, #tpu.memory_space<vmem_shared>>) target(%dma_start3A_37 : memref<128x128xf32, #tpu.memory_space<hbm>>) target_semaphore(%run_scoped3A : memref<!tpu.dma_semaphore, #tpu.memory_space<semaphore_mem>>)
      %dma_wait3A_40 = arith.constant 0 : i32
      %dma_wait3A_41 = tpu.memref_slice %arg7[%add3A_33, %dma_wait3A_40] : memref<4096x128xf32, #tpu.memory_space<hbm>> -> memref<128x128xf32, #tpu.memory_space<hbm>>
      %dma_wait3A_42 = arith.constant 0 : i32
      %dma_wait3A_43 = tpu.memref_slice %arg17[%mul3A_35, %dma_wait3A_42] : memref<2048x128xf32, #tpu.memory_space<vmem_shared>> -> memref<128x128xf32, #tpu.memory_space<vmem_shared>>
      tpu.wait_dma2 semaphore(%run_scoped3A : memref<!tpu.dma_semaphore, #tpu.memory_space<semaphore_mem>>) src(%dma_wait3A_43 : memref<128x128xf32, #tpu.memory_space<vmem_shared>>) dst(%dma_wait3A_41 : memref<128x128xf32, #tpu.memory_space<hbm>>)
      tpu.yield
    }) : () -> ()
    "tpu.region"() ({
      %run_scoped3A = tpu.sem_alloc : memref<!tpu.dma_semaphore, #tpu.memory_space<semaphore_mem>>
      %dma_start3A_36 = arith.constant 0 : i32
      %dma_start3A_37 = tpu.memref_slice %arg8[%add3A, %dma_start3A_36] : memref<32x2048xf32, #tpu.memory_space<hbm>> -> memref<1x2048xf32, #tpu.memory_space<hbm>>
      %dma_start3A_38 = tpu.memref_squeeze %dma_start3A_37 : memref<1x2048xf32, #tpu.memory_space<hbm>> -> memref<2048xf32, #tpu.memory_space<hbm>>
      %dma_start3A_39 = arith.constant 0 : i32
      %dma_start3A_40 = tpu.memref_slice %arg8[%add3A, %dma_start3A_39] : memref<32x2048xf32, #tpu.memory_space<hbm>> -> memref<1x2048xf32, #tpu.memory_space<hbm>>
      %dma_start3A_41 = tpu.memref_squeeze %dma_start3A_40 : memref<1x2048xf32, #tpu.memory_space<hbm>> -> memref<2048xf32, #tpu.memory_space<hbm>>
      tpu.enqueue_dma source(%arg10 : memref<2048xf32, #tpu.memory_space<vmem>>) target(%dma_start3A_41 : memref<2048xf32, #tpu.memory_space<hbm>>) target_semaphore(%run_scoped3A : memref<!tpu.dma_semaphore, #tpu.memory_space<semaphore_mem>>)
      %dma_wait3A_42 = arith.constant 0 : i32
      %dma_wait3A_43 = tpu.memref_slice %arg8[%add3A, %dma_wait3A_42] : memref<32x2048xf32, #tpu.memory_space<hbm>> -> memref<1x2048xf32, #tpu.memory_space<hbm>>
      %dma_wait3A_44 = tpu.memref_squeeze %dma_wait3A_43 : memref<1x2048xf32, #tpu.memory_space<hbm>> -> memref<2048xf32, #tpu.memory_space<hbm>>
      %dma_wait3A_45 = arith.constant 0 : i32
      %dma_wait3A_46 = tpu.memref_slice %arg8[%add3A, %dma_wait3A_45] : memref<32x2048xf32, #tpu.memory_space<hbm>> -> memref<1x2048xf32, #tpu.memory_space<hbm>>
      %dma_wait3A_47 = tpu.memref_squeeze %dma_wait3A_46 : memref<1x2048xf32, #tpu.memory_space<hbm>> -> memref<2048xf32, #tpu.memory_space<hbm>>
      tpu.wait_dma2 semaphore(%run_scoped3A : memref<!tpu.dma_semaphore, #tpu.memory_space<semaphore_mem>>) src(%arg10 : memref<2048xf32, #tpu.memory_space<vmem>>) dst(%dma_wait3A_47 : memref<2048xf32, #tpu.memory_space<hbm>>)
      tpu.yield
    }) : () -> ()
    return
  }
}

#map = affine_map<(d0, d1) -> (0, 0)>
#map1 = affine_map<(d0, d1) -> (0)>
module attributes {stable_mosaic.version = 14 : i64} {
  func.func @seg_sum(%arg0: i32, %arg1: i32, %arg2: memref<50000x128xf32, #tpu.memory_space<hbm>>, %arg3: memref<320000xi32, #tpu.memory_space<hbm>>, %arg4: memref<320000xi32, #tpu.memory_space<hbm>>, %arg5: memref<128x128xf32, #tpu.memory_space<hbm>>, %arg6: memref<10240xf32, #tpu.memory_space<hbm>>, %arg7: memref<20480x128xf32, #tpu.memory_space<hbm>>, %arg8: memref<32x10240xf32, #tpu.memory_space<hbm>>, %arg9: memref<128x128xf32, #tpu.memory_space<vmem>>, %arg10: memref<10240xf32, #tpu.memory_space<vmem>>, %arg11: memref<128xi32, #tpu.memory_space<vmem>>, %arg12: memref<128xi32, #tpu.memory_space<vmem>>, %arg13: memref<16xi32, #tpu.memory_space<vmem>>, %arg14: memref<16xi32, #tpu.memory_space<vmem>>, %arg15: memref<128x128xf32, #tpu.memory_space<vmem>>, %arg16: memref<16x128xf32, #tpu.memory_space<vmem>>, %arg17: memref<10240x128xf32, #tpu.memory_space<vmem_shared>>, %arg18: memref<!tpu.dma_semaphore, #tpu.memory_space<semaphore_mem>>) attributes {dimension_semantics = [#tpu.dimension_semantics<core_parallel>, #tpu.dimension_semantics<subcore_parallel>], iteration_bounds = array<i64: 2, 16>, scalar_prefetch = 0 : i64, scratch_operands = 10 : i64, tpu.core_type = #tpu.core_type<sc_vector_subcore>, window_params = [{transform_indices = #map}, {transform_indices = #map1}, {transform_indices = #map1}, {transform_indices = #map}, {transform_indices = #map1}, {transform_indices = #map}, {transform_indices = #map}]} {
    %mul3A = arith.constant 2 : i32
    %mul3A_0 = arith.muli %arg1, %mul3A : i32
    %add3A = arith.addi %mul3A_0, %arg0 : i32
    "tpu.region"() ({
      %run_scoped3A = tpu.sem_alloc : memref<!tpu.dma_semaphore, #tpu.memory_space<semaphore_mem>>
      tpu.enqueue_dma source(%arg5 : memref<128x128xf32, #tpu.memory_space<hbm>>) target(%arg9 : memref<128x128xf32, #tpu.memory_space<vmem>>) target_semaphore(%run_scoped3A : memref<!tpu.dma_semaphore, #tpu.memory_space<semaphore_mem>>)
      tpu.wait_dma2 semaphore(%run_scoped3A : memref<!tpu.dma_semaphore, #tpu.memory_space<semaphore_mem>>) src(%arg5 : memref<128x128xf32, #tpu.memory_space<hbm>>) dst(%arg9 : memref<128x128xf32, #tpu.memory_space<vmem>>)
      tpu.yield
    }) : () -> ()
    "tpu.region"() ({
      %run_scoped3A = tpu.sem_alloc : memref<!tpu.dma_semaphore, #tpu.memory_space<semaphore_mem>>
      tpu.enqueue_dma source(%arg6 : memref<10240xf32, #tpu.memory_space<hbm>>) target(%arg10 : memref<10240xf32, #tpu.memory_space<vmem>>) target_semaphore(%run_scoped3A : memref<!tpu.dma_semaphore, #tpu.memory_space<semaphore_mem>>)
      tpu.wait_dma2 semaphore(%run_scoped3A : memref<!tpu.dma_semaphore, #tpu.memory_space<semaphore_mem>>) src(%arg6 : memref<10240xf32, #tpu.memory_space<hbm>>) dst(%arg10 : memref<10240xf32, #tpu.memory_space<vmem>>)
      tpu.yield
    }) : () -> ()
    %mul3A_1 = arith.constant 640 : i32
    %mul3A_2 = arith.muli %arg1, %mul3A_1 : i32
    %add3A_3 = arith.constant 0 : i32
    %add3A_4 = arith.addi %mul3A_2, %add3A_3 : i32
    "tpu.region"() ({
      %run_scoped3A = tpu.sem_alloc : memref<!tpu.dma_semaphore, #tpu.memory_space<semaphore_mem>>
      %dma_start3A_44 = arith.constant 0 : i32
      %dma_start3A_45 = tpu.memref_slice %arg17[%add3A_4, %dma_start3A_44] : memref<10240x128xf32, #tpu.memory_space<vmem_shared>> -> memref<128x128xf32, #tpu.memory_space<vmem_shared>>
      %dma_start3A_46 = arith.constant 0 : i32
      %dma_start3A_47 = tpu.memref_slice %arg17[%add3A_4, %dma_start3A_46] : memref<10240x128xf32, #tpu.memory_space<vmem_shared>> -> memref<128x128xf32, #tpu.memory_space<vmem_shared>>
      tpu.enqueue_dma source(%arg9 : memref<128x128xf32, #tpu.memory_space<vmem>>) target(%dma_start3A_47 : memref<128x128xf32, #tpu.memory_space<vmem_shared>>) target_semaphore(%run_scoped3A : memref<!tpu.dma_semaphore, #tpu.memory_space<semaphore_mem>>)
      %dma_wait3A_48 = arith.constant 0 : i32
      %dma_wait3A_49 = tpu.memref_slice %arg17[%add3A_4, %dma_wait3A_48] : memref<10240x128xf32, #tpu.memory_space<vmem_shared>> -> memref<128x128xf32, #tpu.memory_space<vmem_shared>>
      %dma_wait3A_50 = arith.constant 0 : i32
      %dma_wait3A_51 = tpu.memref_slice %arg17[%add3A_4, %dma_wait3A_50] : memref<10240x128xf32, #tpu.memory_space<vmem_shared>> -> memref<128x128xf32, #tpu.memory_space<vmem_shared>>
      tpu.wait_dma2 semaphore(%run_scoped3A : memref<!tpu.dma_semaphore, #tpu.memory_space<semaphore_mem>>) src(%arg9 : memref<128x128xf32, #tpu.memory_space<vmem>>) dst(%dma_wait3A_51 : memref<128x128xf32, #tpu.memory_space<vmem_shared>>)
      tpu.yield
    }) : () -> ()
    %mul3A_5 = arith.constant 640 : i32
    %mul3A_6 = arith.muli %arg1, %mul3A_5 : i32
    %add3A_7 = arith.constant 128 : i32
    %add3A_8 = arith.addi %mul3A_6, %add3A_7 : i32
    "tpu.region"() ({
      %run_scoped3A = tpu.sem_alloc : memref<!tpu.dma_semaphore, #tpu.memory_space<semaphore_mem>>
      %dma_start3A_44 = arith.constant 0 : i32
      %dma_start3A_45 = tpu.memref_slice %arg17[%add3A_8, %dma_start3A_44] : memref<10240x128xf32, #tpu.memory_space<vmem_shared>> -> memref<128x128xf32, #tpu.memory_space<vmem_shared>>
      %dma_start3A_46 = arith.constant 0 : i32
      %dma_start3A_47 = tpu.memref_slice %arg17[%add3A_8, %dma_start3A_46] : memref<10240x128xf32, #tpu.memory_space<vmem_shared>> -> memref<128x128xf32, #tpu.memory_space<vmem_shared>>
      tpu.enqueue_dma source(%arg9 : memref<128x128xf32, #tpu.memory_space<vmem>>) target(%dma_start3A_47 : memref<128x128xf32, #tpu.memory_space<vmem_shared>>) target_semaphore(%run_scoped3A : memref<!tpu.dma_semaphore, #tpu.memory_space<semaphore_mem>>)
      %dma_wait3A_48 = arith.constant 0 : i32
      %dma_wait3A_49 = tpu.memref_slice %arg17[%add3A_8, %dma_wait3A_48] : memref<10240x128xf32, #tpu.memory_space<vmem_shared>> -> memref<128x128xf32, #tpu.memory_space<vmem_shared>>
      %dma_wait3A_50 = arith.constant 0 : i32
      %dma_wait3A_51 = tpu.memref_slice %arg17[%add3A_8, %dma_wait3A_50] : memref<10240x128xf32, #tpu.memory_space<vmem_shared>> -> memref<128x128xf32, #tpu.memory_space<vmem_shared>>
      tpu.wait_dma2 semaphore(%run_scoped3A : memref<!tpu.dma_semaphore, #tpu.memory_space<semaphore_mem>>) src(%arg9 : memref<128x128xf32, #tpu.memory_space<vmem>>) dst(%dma_wait3A_51 : memref<128x128xf32, #tpu.memory_space<vmem_shared>>)
      tpu.yield
    }) : () -> ()
    %mul3A_9 = arith.constant 640 : i32
    %mul3A_10 = arith.muli %arg1, %mul3A_9 : i32
    %add3A_11 = arith.constant 256 : i32
    %add3A_12 = arith.addi %mul3A_10, %add3A_11 : i32
    "tpu.region"() ({
      %run_scoped3A = tpu.sem_alloc : memref<!tpu.dma_semaphore, #tpu.memory_space<semaphore_mem>>
      %dma_start3A_44 = arith.constant 0 : i32
      %dma_start3A_45 = tpu.memref_slice %arg17[%add3A_12, %dma_start3A_44] : memref<10240x128xf32, #tpu.memory_space<vmem_shared>> -> memref<128x128xf32, #tpu.memory_space<vmem_shared>>
      %dma_start3A_46 = arith.constant 0 : i32
      %dma_start3A_47 = tpu.memref_slice %arg17[%add3A_12, %dma_start3A_46] : memref<10240x128xf32, #tpu.memory_space<vmem_shared>> -> memref<128x128xf32, #tpu.memory_space<vmem_shared>>
      tpu.enqueue_dma source(%arg9 : memref<128x128xf32, #tpu.memory_space<vmem>>) target(%dma_start3A_47 : memref<128x128xf32, #tpu.memory_space<vmem_shared>>) target_semaphore(%run_scoped3A : memref<!tpu.dma_semaphore, #tpu.memory_space<semaphore_mem>>)
      %dma_wait3A_48 = arith.constant 0 : i32
      %dma_wait3A_49 = tpu.memref_slice %arg17[%add3A_12, %dma_wait3A_48] : memref<10240x128xf32, #tpu.memory_space<vmem_shared>> -> memref<128x128xf32, #tpu.memory_space<vmem_shared>>
      %dma_wait3A_50 = arith.constant 0 : i32
      %dma_wait3A_51 = tpu.memref_slice %arg17[%add3A_12, %dma_wait3A_50] : memref<10240x128xf32, #tpu.memory_space<vmem_shared>> -> memref<128x128xf32, #tpu.memory_space<vmem_shared>>
      tpu.wait_dma2 semaphore(%run_scoped3A : memref<!tpu.dma_semaphore, #tpu.memory_space<semaphore_mem>>) src(%arg9 : memref<128x128xf32, #tpu.memory_space<vmem>>) dst(%dma_wait3A_51 : memref<128x128xf32, #tpu.memory_space<vmem_shared>>)
      tpu.yield
    }) : () -> ()
    %mul3A_13 = arith.constant 640 : i32
    %mul3A_14 = arith.muli %arg1, %mul3A_13 : i32
    %add3A_15 = arith.constant 384 : i32
    %add3A_16 = arith.addi %mul3A_14, %add3A_15 : i32
    "tpu.region"() ({
      %run_scoped3A = tpu.sem_alloc : memref<!tpu.dma_semaphore, #tpu.memory_space<semaphore_mem>>
      %dma_start3A_44 = arith.constant 0 : i32
      %dma_start3A_45 = tpu.memref_slice %arg17[%add3A_16, %dma_start3A_44] : memref<10240x128xf32, #tpu.memory_space<vmem_shared>> -> memref<128x128xf32, #tpu.memory_space<vmem_shared>>
      %dma_start3A_46 = arith.constant 0 : i32
      %dma_start3A_47 = tpu.memref_slice %arg17[%add3A_16, %dma_start3A_46] : memref<10240x128xf32, #tpu.memory_space<vmem_shared>> -> memref<128x128xf32, #tpu.memory_space<vmem_shared>>
      tpu.enqueue_dma source(%arg9 : memref<128x128xf32, #tpu.memory_space<vmem>>) target(%dma_start3A_47 : memref<128x128xf32, #tpu.memory_space<vmem_shared>>) target_semaphore(%run_scoped3A : memref<!tpu.dma_semaphore, #tpu.memory_space<semaphore_mem>>)
      %dma_wait3A_48 = arith.constant 0 : i32
      %dma_wait3A_49 = tpu.memref_slice %arg17[%add3A_16, %dma_wait3A_48] : memref<10240x128xf32, #tpu.memory_space<vmem_shared>> -> memref<128x128xf32, #tpu.memory_space<vmem_shared>>
      %dma_wait3A_50 = arith.constant 0 : i32
      %dma_wait3A_51 = tpu.memref_slice %arg17[%add3A_16, %dma_wait3A_50] : memref<10240x128xf32, #tpu.memory_space<vmem_shared>> -> memref<128x128xf32, #tpu.memory_space<vmem_shared>>
      tpu.wait_dma2 semaphore(%run_scoped3A : memref<!tpu.dma_semaphore, #tpu.memory_space<semaphore_mem>>) src(%arg9 : memref<128x128xf32, #tpu.memory_space<vmem>>) dst(%dma_wait3A_51 : memref<128x128xf32, #tpu.memory_space<vmem_shared>>)
      tpu.yield
    }) : () -> ()
    %mul3A_17 = arith.constant 640 : i32
    %mul3A_18 = arith.muli %arg1, %mul3A_17 : i32
    %add3A_19 = arith.constant 512 : i32
    %add3A_20 = arith.addi %mul3A_18, %add3A_19 : i32
    "tpu.region"() ({
      %run_scoped3A = tpu.sem_alloc : memref<!tpu.dma_semaphore, #tpu.memory_space<semaphore_mem>>
      %dma_start3A_44 = arith.constant 0 : i32
      %dma_start3A_45 = tpu.memref_slice %arg17[%add3A_20, %dma_start3A_44] : memref<10240x128xf32, #tpu.memory_space<vmem_shared>> -> memref<128x128xf32, #tpu.memory_space<vmem_shared>>
      %dma_start3A_46 = arith.constant 0 : i32
      %dma_start3A_47 = tpu.memref_slice %arg17[%add3A_20, %dma_start3A_46] : memref<10240x128xf32, #tpu.memory_space<vmem_shared>> -> memref<128x128xf32, #tpu.memory_space<vmem_shared>>
      tpu.enqueue_dma source(%arg9 : memref<128x128xf32, #tpu.memory_space<vmem>>) target(%dma_start3A_47 : memref<128x128xf32, #tpu.memory_space<vmem_shared>>) target_semaphore(%run_scoped3A : memref<!tpu.dma_semaphore, #tpu.memory_space<semaphore_mem>>)
      %dma_wait3A_48 = arith.constant 0 : i32
      %dma_wait3A_49 = tpu.memref_slice %arg17[%add3A_20, %dma_wait3A_48] : memref<10240x128xf32, #tpu.memory_space<vmem_shared>> -> memref<128x128xf32, #tpu.memory_space<vmem_shared>>
      %dma_wait3A_50 = arith.constant 0 : i32
      %dma_wait3A_51 = tpu.memref_slice %arg17[%add3A_20, %dma_wait3A_50] : memref<10240x128xf32, #tpu.memory_space<vmem_shared>> -> memref<128x128xf32, #tpu.memory_space<vmem_shared>>
      tpu.wait_dma2 semaphore(%run_scoped3A : memref<!tpu.dma_semaphore, #tpu.memory_space<semaphore_mem>>) src(%arg9 : memref<128x128xf32, #tpu.memory_space<vmem>>) dst(%dma_wait3A_51 : memref<128x128xf32, #tpu.memory_space<vmem_shared>>)
      tpu.yield
    }) : () -> ()
    %barrier3A = arith.constant 0 : index
    tpu.barrier barrier_id(%barrier3A)
    %mul3A_21 = arith.constant 10000 : i32
    %mul3A_22 = arith.muli %add3A, %mul3A_21 : i32
    %broadcast_in_dim3A = arith.constant 1.000000e+00 : f32
    %broadcast_in_dim3A_23 = vector.broadcast %broadcast_in_dim3A : f32 to vector<16xf32>
    %scan3A = arith.constant 0 : i32
    %scan3A_24 = arith.constant 0 : i32
    %scan3A_25 = arith.constant 78 : i32
    %scan3A_26 = arith.addi %scan3A_24, %scan3A_25 : i32
    %scan3A_27 = arith.constant 1 : i32
    scf.for %scan3A_44 = %scan3A_24 to %scan3A_26 step %scan3A_27  : i32 {
      %mul3A_45 = arith.constant 128 : i32
      %mul3A_46 = arith.muli %scan3A_44, %mul3A_45 : i32
      %add3A_47 = arith.addi %mul3A_22, %mul3A_46 : i32
      "tpu.region"() ({
        %run_scoped3A = tpu.sem_alloc : memref<!tpu.dma_semaphore, #tpu.memory_space<semaphore_mem>>
        %dma_start3A_70 = tpu.memref_slice %arg3[%add3A_47] : memref<320000xi32, #tpu.memory_space<hbm>> -> memref<128xi32, #tpu.memory_space<hbm>>
        %dma_start3A_71 = tpu.memref_slice %arg3[%add3A_47] : memref<320000xi32, #tpu.memory_space<hbm>> -> memref<128xi32, #tpu.memory_space<hbm>>
        tpu.enqueue_dma source(%dma_start3A_71 : memref<128xi32, #tpu.memory_space<hbm>>) target(%arg11 : memref<128xi32, #tpu.memory_space<vmem>>) target_semaphore(%run_scoped3A : memref<!tpu.dma_semaphore, #tpu.memory_space<semaphore_mem>>)
        %dma_wait3A_72 = tpu.memref_slice %arg3[%add3A_47] : memref<320000xi32, #tpu.memory_space<hbm>> -> memref<128xi32, #tpu.memory_space<hbm>>
        %dma_wait3A_73 = tpu.memref_slice %arg3[%add3A_47] : memref<320000xi32, #tpu.memory_space<hbm>> -> memref<128xi32, #tpu.memory_space<hbm>>
        tpu.wait_dma2 semaphore(%run_scoped3A : memref<!tpu.dma_semaphore, #tpu.memory_space<semaphore_mem>>) src(%dma_wait3A_73 : memref<128xi32, #tpu.memory_space<hbm>>) dst(%arg11 : memref<128xi32, #tpu.memory_space<vmem>>)
        tpu.yield
      }) : () -> ()
      "tpu.region"() ({
        %run_scoped3A = tpu.sem_alloc : memref<!tpu.dma_semaphore, #tpu.memory_space<semaphore_mem>>
        %dma_start3A_70 = tpu.memref_slice %arg4[%add3A_47] : memref<320000xi32, #tpu.memory_space<hbm>> -> memref<128xi32, #tpu.memory_space<hbm>>
        %dma_start3A_71 = tpu.memref_slice %arg4[%add3A_47] : memref<320000xi32, #tpu.memory_space<hbm>> -> memref<128xi32, #tpu.memory_space<hbm>>
        tpu.enqueue_dma source(%dma_start3A_71 : memref<128xi32, #tpu.memory_space<hbm>>) target(%arg12 : memref<128xi32, #tpu.memory_space<vmem>>) target_semaphore(%run_scoped3A : memref<!tpu.dma_semaphore, #tpu.memory_space<semaphore_mem>>)
        %dma_wait3A_72 = tpu.memref_slice %arg4[%add3A_47] : memref<320000xi32, #tpu.memory_space<hbm>> -> memref<128xi32, #tpu.memory_space<hbm>>
        %dma_wait3A_73 = tpu.memref_slice %arg4[%add3A_47] : memref<320000xi32, #tpu.memory_space<hbm>> -> memref<128xi32, #tpu.memory_space<hbm>>
        tpu.wait_dma2 semaphore(%run_scoped3A : memref<!tpu.dma_semaphore, #tpu.memory_space<semaphore_mem>>) src(%dma_wait3A_73 : memref<128xi32, #tpu.memory_space<hbm>>) dst(%arg12 : memref<128xi32, #tpu.memory_space<vmem>>)
        tpu.yield
      }) : () -> ()
      %dma_start3A_48 = arith.constant 0 : i32
      %dma_start3A_49 = arith.constant 0 : i32
      %dma_start3A_50 = tpu.memref_slice %arg2[%dma_start3A_48, %dma_start3A_49] : memref<50000x128xf32, #tpu.memory_space<hbm>> -> memref<50000x128xf32, #tpu.memory_space<hbm>>
      tpu.enqueue_indirect_dma source(%dma_start3A_50 : memref<50000x128xf32, #tpu.memory_space<hbm>>) target(%arg15 : memref<128x128xf32, #tpu.memory_space<vmem>>) offsets(%arg11 : memref<128xi32, #tpu.memory_space<vmem>>) semaphore(%arg18 : memref<!tpu.dma_semaphore, #tpu.memory_space<semaphore_mem>>)
      %dma_wait3A_51 = arith.constant 0 : i32
      %dma_wait3A_52 = arith.constant 0 : i32
      %dma_wait3A_53 = tpu.memref_slice %arg2[%dma_wait3A_51, %dma_wait3A_52] : memref<50000x128xf32, #tpu.memory_space<hbm>> -> memref<50000x128xf32, #tpu.memory_space<hbm>>
      tpu.wait_indirect_dma semaphore(%arg18 : memref<!tpu.dma_semaphore, #tpu.memory_space<semaphore_mem>>) src(%dma_wait3A_53 : memref<50000x128xf32, #tpu.memory_space<hbm>>) dst(%arg15 : memref<128x128xf32, #tpu.memory_space<vmem>>)
      "tpu.region"() ({
        %run_scoped3A = tpu.sem_alloc : memref<!tpu.dma_semaphore, #tpu.memory_space<semaphore_mem>>
        %dma_start3A_70 = arith.constant 0 : i32
        %dma_start3A_71 = arith.constant 0 : i32
        %dma_start3A_72 = tpu.memref_slice %arg17[%dma_start3A_70, %dma_start3A_71] : memref<10240x128xf32, #tpu.memory_space<vmem_shared>> -> memref<10240x128xf32, #tpu.memory_space<vmem_shared>>
        tpu.enqueue_indirect_dma source(%arg15 : memref<128x128xf32, #tpu.memory_space<vmem>>) target(%dma_start3A_72 : memref<10240x128xf32, #tpu.memory_space<vmem_shared>>) offsets(%arg12 : memref<128xi32, #tpu.memory_space<vmem>>) semaphore(%run_scoped3A : memref<!tpu.dma_semaphore, #tpu.memory_space<semaphore_mem>>) {add = true}
        %dma_wait3A_73 = arith.constant 0 : i32
        %dma_wait3A_74 = arith.constant 0 : i32
        %dma_wait3A_75 = tpu.memref_slice %arg17[%dma_wait3A_73, %dma_wait3A_74] : memref<10240x128xf32, #tpu.memory_space<vmem_shared>> -> memref<10240x128xf32, #tpu.memory_space<vmem_shared>>
        tpu.wait_indirect_dma semaphore(%run_scoped3A : memref<!tpu.dma_semaphore, #tpu.memory_space<semaphore_mem>>) src(%arg15 : memref<128x128xf32, #tpu.memory_space<vmem>>) dst(%dma_wait3A_75 : memref<10240x128xf32, #tpu.memory_space<vmem_shared>>)
        tpu.yield
      }) : () -> ()
      %get3A_54 = arith.constant 0 : index
      %get3A_55 = tpu.vector_load %arg12[%get3A_54] {strides = array<i32>} : memref<128xi32, #tpu.memory_space<vmem>>, vector<16xi32>,
      tpu.vector_store_idx %arg10[%get3A_55], %broadcast_in_dim3A_23 {add = true} : memref<10240xf32, #tpu.memory_space<vmem>>[vector<16xi32>], vector<16xf32>,
      %get3A_56 = arith.constant 16 : index
      %get3A_57 = tpu.vector_load %arg12[%get3A_56] {strides = array<i32>} : memref<128xi32, #tpu.memory_space<vmem>>, vector<16xi32>,
      tpu.vector_store_idx %arg10[%get3A_57], %broadcast_in_dim3A_23 {add = true} : memref<10240xf32, #tpu.memory_space<vmem>>[vector<16xi32>], vector<16xf32>,
      %get3A_58 = arith.constant 32 : index
      %get3A_59 = tpu.vector_load %arg12[%get3A_58] {strides = array<i32>} : memref<128xi32, #tpu.memory_space<vmem>>, vector<16xi32>,
      tpu.vector_store_idx %arg10[%get3A_59], %broadcast_in_dim3A_23 {add = true} : memref<10240xf32, #tpu.memory_space<vmem>>[vector<16xi32>], vector<16xf32>,
      %get3A_60 = arith.constant 48 : index
      %get3A_61 = tpu.vector_load %arg12[%get3A_60] {strides = array<i32>} : memref<128xi32, #tpu.memory_space<vmem>>, vector<16xi32>,
      tpu.vector_store_idx %arg10[%get3A_61], %broadcast_in_dim3A_23 {add = true} : memref<10240xf32, #tpu.memory_space<vmem>>[vector<16xi32>], vector<16xf32>,
      %get3A_62 = arith.constant 64 : index
      %get3A_63 = tpu.vector_load %arg12[%get3A_62] {strides = array<i32>} : memref<128xi32, #tpu.memory_space<vmem>>, vector<16xi32>,
      tpu.vector_store_idx %arg10[%get3A_63], %broadcast_in_dim3A_23 {add = true} : memref<10240xf32, #tpu.memory_space<vmem>>[vector<16xi32>], vector<16xf32>,
      %get3A_64 = arith.constant 80 : index
      %get3A_65 = tpu.vector_load %arg12[%get3A_64] {strides = array<i32>} : memref<128xi32, #tpu.memory_space<vmem>>, vector<16xi32>,
      tpu.vector_store_idx %arg10[%get3A_65], %broadcast_in_dim3A_23 {add = true} : memref<10240xf32, #tpu.memory_space<vmem>>[vector<16xi32>], vector<16xf32>,
      %get3A_66 = arith.constant 96 : index
      %get3A_67 = tpu.vector_load %arg12[%get3A_66] {strides = array<i32>} : memref<128xi32, #tpu.memory_space<vmem>>, vector<16xi32>,
      tpu.vector_store_idx %arg10[%get3A_67], %broadcast_in_dim3A_23 {add = true} : memref<10240xf32, #tpu.memory_space<vmem>>[vector<16xi32>], vector<16xf32>,
      %get3A_68 = arith.constant 112 : index
      %get3A_69 = tpu.vector_load %arg12[%get3A_68] {strides = array<i32>} : memref<128xi32, #tpu.memory_space<vmem>>, vector<16xi32>,
      tpu.vector_store_idx %arg10[%get3A_69], %broadcast_in_dim3A_23 {add = true} : memref<10240xf32, #tpu.memory_space<vmem>>[vector<16xi32>], vector<16xf32>,
    }
    %scan3A_28 = arith.constant 78 : i32
    %add3A_29 = arith.constant 9984 : i32
    %add3A_30 = arith.addi %mul3A_22, %add3A_29 : i32
    "tpu.region"() ({
      %run_scoped3A = tpu.sem_alloc : memref<!tpu.dma_semaphore, #tpu.memory_space<semaphore_mem>>
      %dma_start3A_44 = tpu.memref_slice %arg3[%add3A_30] : memref<320000xi32, #tpu.memory_space<hbm>> -> memref<16xi32, #tpu.memory_space<hbm>>
      %dma_start3A_45 = tpu.memref_slice %arg3[%add3A_30] : memref<320000xi32, #tpu.memory_space<hbm>> -> memref<16xi32, #tpu.memory_space<hbm>>
      tpu.enqueue_dma source(%dma_start3A_45 : memref<16xi32, #tpu.memory_space<hbm>>) target(%arg13 : memref<16xi32, #tpu.memory_space<vmem>>) target_semaphore(%run_scoped3A : memref<!tpu.dma_semaphore, #tpu.memory_space<semaphore_mem>>)
      %dma_wait3A_46 = tpu.memref_slice %arg3[%add3A_30] : memref<320000xi32, #tpu.memory_space<hbm>> -> memref<16xi32, #tpu.memory_space<hbm>>
      %dma_wait3A_47 = tpu.memref_slice %arg3[%add3A_30] : memref<320000xi32, #tpu.memory_space<hbm>> -> memref<16xi32, #tpu.memory_space<hbm>>
      tpu.wait_dma2 semaphore(%run_scoped3A : memref<!tpu.dma_semaphore, #tpu.memory_space<semaphore_mem>>) src(%dma_wait3A_47 : memref<16xi32, #tpu.memory_space<hbm>>) dst(%arg13 : memref<16xi32, #tpu.memory_space<vmem>>)
      tpu.yield
    }) : () -> ()
    "tpu.region"() ({
      %run_scoped3A = tpu.sem_alloc : memref<!tpu.dma_semaphore, #tpu.memory_space<semaphore_mem>>
      %dma_start3A_44 = tpu.memref_slice %arg4[%add3A_30] : memref<320000xi32, #tpu.memory_space<hbm>> -> memref<16xi32, #tpu.memory_space<hbm>>
      %dma_start3A_45 = tpu.memref_slice %arg4[%add3A_30] : memref<320000xi32, #tpu.memory_space<hbm>> -> memref<16xi32, #tpu.memory_space<hbm>>
      tpu.enqueue_dma source(%dma_start3A_45 : memref<16xi32, #tpu.memory_space<hbm>>) target(%arg14 : memref<16xi32, #tpu.memory_space<vmem>>) target_semaphore(%run_scoped3A : memref<!tpu.dma_semaphore, #tpu.memory_space<semaphore_mem>>)
      %dma_wait3A_46 = tpu.memref_slice %arg4[%add3A_30] : memref<320000xi32, #tpu.memory_space<hbm>> -> memref<16xi32, #tpu.memory_space<hbm>>
      %dma_wait3A_47 = tpu.memref_slice %arg4[%add3A_30] : memref<320000xi32, #tpu.memory_space<hbm>> -> memref<16xi32, #tpu.memory_space<hbm>>
      tpu.wait_dma2 semaphore(%run_scoped3A : memref<!tpu.dma_semaphore, #tpu.memory_space<semaphore_mem>>) src(%dma_wait3A_47 : memref<16xi32, #tpu.memory_space<hbm>>) dst(%arg14 : memref<16xi32, #tpu.memory_space<vmem>>)
      tpu.yield
    }) : () -> ()
    %dma_start3A = arith.constant 0 : i32
    %dma_start3A_31 = arith.constant 0 : i32
    %dma_start3A_32 = tpu.memref_slice %arg2[%dma_start3A, %dma_start3A_31] : memref<50000x128xf32, #tpu.memory_space<hbm>> -> memref<50000x128xf32, #tpu.memory_space<hbm>>
    tpu.enqueue_indirect_dma source(%dma_start3A_32 : memref<50000x128xf32, #tpu.memory_space<hbm>>) target(%arg16 : memref<16x128xf32, #tpu.memory_space<vmem>>) offsets(%arg13 : memref<16xi32, #tpu.memory_space<vmem>>) semaphore(%arg18 : memref<!tpu.dma_semaphore, #tpu.memory_space<semaphore_mem>>)
    %dma_wait3A = arith.constant 0 : i32
    %dma_wait3A_33 = arith.constant 0 : i32
    %dma_wait3A_34 = tpu.memref_slice %arg2[%dma_wait3A, %dma_wait3A_33] : memref<50000x128xf32, #tpu.memory_space<hbm>> -> memref<50000x128xf32, #tpu.memory_space<hbm>>
    tpu.wait_indirect_dma semaphore(%arg18 : memref<!tpu.dma_semaphore, #tpu.memory_space<semaphore_mem>>) src(%dma_wait3A_34 : memref<50000x128xf32, #tpu.memory_space<hbm>>) dst(%arg16 : memref<16x128xf32, #tpu.memory_space<vmem>>)
    "tpu.region"() ({
      %run_scoped3A = tpu.sem_alloc : memref<!tpu.dma_semaphore, #tpu.memory_space<semaphore_mem>>
      %dma_start3A_44 = arith.constant 0 : i32
      %dma_start3A_45 = arith.constant 0 : i32
      %dma_start3A_46 = tpu.memref_slice %arg17[%dma_start3A_44, %dma_start3A_45] : memref<10240x128xf32, #tpu.memory_space<vmem_shared>> -> memref<10240x128xf32, #tpu.memory_space<vmem_shared>>
      tpu.enqueue_indirect_dma source(%arg16 : memref<16x128xf32, #tpu.memory_space<vmem>>) target(%dma_start3A_46 : memref<10240x128xf32, #tpu.memory_space<vmem_shared>>) offsets(%arg14 : memref<16xi32, #tpu.memory_space<vmem>>) semaphore(%run_scoped3A : memref<!tpu.dma_semaphore, #tpu.memory_space<semaphore_mem>>) {add = true}
      %dma_wait3A_47 = arith.constant 0 : i32
      %dma_wait3A_48 = arith.constant 0 : i32
      %dma_wait3A_49 = tpu.memref_slice %arg17[%dma_wait3A_47, %dma_wait3A_48] : memref<10240x128xf32, #tpu.memory_space<vmem_shared>> -> memref<10240x128xf32, #tpu.memory_space<vmem_shared>>
      tpu.wait_indirect_dma semaphore(%run_scoped3A : memref<!tpu.dma_semaphore, #tpu.memory_space<semaphore_mem>>) src(%arg16 : memref<16x128xf32, #tpu.memory_space<vmem>>) dst(%dma_wait3A_49 : memref<10240x128xf32, #tpu.memory_space<vmem_shared>>)
      tpu.yield
    }) : () -> ()
    %get3A = arith.constant 0 : index
    %get3A_35 = tpu.vector_load %arg14[%get3A] {strides = array<i32>} : memref<16xi32, #tpu.memory_space<vmem>>, vector<16xi32>,
    tpu.vector_store_idx %arg10[%get3A_35], %broadcast_in_dim3A_23 {add = true} : memref<10240xf32, #tpu.memory_space<vmem>>[vector<16xi32>], vector<16xf32>,
    %barrier3A_36 = arith.constant 0 : index
    tpu.barrier barrier_id(%barrier3A_36)
    %mul3A_37 = arith.constant 10240 : i32
    %mul3A_38 = arith.muli %arg0, %mul3A_37 : i32
    %mul3A_39 = arith.constant 640 : i32
    %mul3A_40 = arith.muli %arg1, %mul3A_39 : i32
    %add3A_41 = arith.addi %mul3A_38, %mul3A_40 : i32
    %mul3A_42 = arith.constant 640 : i32
    %mul3A_43 = arith.muli %arg1, %mul3A_42 : i32
    "tpu.region"() ({
      %run_scoped3A = tpu.sem_alloc : memref<!tpu.dma_semaphore, #tpu.memory_space<semaphore_mem>>
      %dma_start3A_44 = arith.constant 0 : i32
      %dma_start3A_45 = tpu.memref_slice %arg7[%add3A_41, %dma_start3A_44] : memref<20480x128xf32, #tpu.memory_space<hbm>> -> memref<640x128xf32, #tpu.memory_space<hbm>>
      %dma_start3A_46 = arith.constant 0 : i32
      %dma_start3A_47 = tpu.memref_slice %arg17[%mul3A_43, %dma_start3A_46] : memref<10240x128xf32, #tpu.memory_space<vmem_shared>> -> memref<640x128xf32, #tpu.memory_space<vmem_shared>>
      tpu.enqueue_dma source(%dma_start3A_47 : memref<640x128xf32, #tpu.memory_space<vmem_shared>>) target(%dma_start3A_45 : memref<640x128xf32, #tpu.memory_space<hbm>>) target_semaphore(%run_scoped3A : memref<!tpu.dma_semaphore, #tpu.memory_space<semaphore_mem>>)
      %dma_wait3A_48 = arith.constant 0 : i32
      %dma_wait3A_49 = tpu.memref_slice %arg7[%add3A_41, %dma_wait3A_48] : memref<20480x128xf32, #tpu.memory_space<hbm>> -> memref<640x128xf32, #tpu.memory_space<hbm>>
      %dma_wait3A_50 = arith.constant 0 : i32
      %dma_wait3A_51 = tpu.memref_slice %arg17[%mul3A_43, %dma_wait3A_50] : memref<10240x128xf32, #tpu.memory_space<vmem_shared>> -> memref<640x128xf32, #tpu.memory_space<vmem_shared>>
      tpu.wait_dma2 semaphore(%run_scoped3A : memref<!tpu.dma_semaphore, #tpu.memory_space<semaphore_mem>>) src(%dma_wait3A_51 : memref<640x128xf32, #tpu.memory_space<vmem_shared>>) dst(%dma_wait3A_49 : memref<640x128xf32, #tpu.memory_space<hbm>>)
      tpu.yield
    }) : () -> ()
    "tpu.region"() ({
      %run_scoped3A = tpu.sem_alloc : memref<!tpu.dma_semaphore, #tpu.memory_space<semaphore_mem>>
      %dma_start3A_44 = arith.constant 0 : i32
      %dma_start3A_45 = tpu.memref_slice %arg8[%add3A, %dma_start3A_44] : memref<32x10240xf32, #tpu.memory_space<hbm>> -> memref<1x10240xf32, #tpu.memory_space<hbm>>
      %dma_start3A_46 = tpu.memref_squeeze %dma_start3A_45 : memref<1x10240xf32, #tpu.memory_space<hbm>> -> memref<10240xf32, #tpu.memory_space<hbm>>
      %dma_start3A_47 = arith.constant 0 : i32
      %dma_start3A_48 = tpu.memref_slice %arg8[%add3A, %dma_start3A_47] : memref<32x10240xf32, #tpu.memory_space<hbm>> -> memref<1x10240xf32, #tpu.memory_space<hbm>>
      %dma_start3A_49 = tpu.memref_squeeze %dma_start3A_48 : memref<1x10240xf32, #tpu.memory_space<hbm>> -> memref<10240xf32, #tpu.memory_space<hbm>>
      tpu.enqueue_dma source(%arg10 : memref<10240xf32, #tpu.memory_space<vmem>>) target(%dma_start3A_49 : memref<10240xf32, #tpu.memory_space<hbm>>) target_semaphore(%run_scoped3A : memref<!tpu.dma_semaphore, #tpu.memory_space<semaphore_mem>>)
      %dma_wait3A_50 = arith.constant 0 : i32
      %dma_wait3A_51 = tpu.memref_slice %arg8[%add3A, %dma_wait3A_50] : memref<32x10240xf32, #tpu.memory_space<hbm>> -> memref<1x10240xf32, #tpu.memory_space<hbm>>
      %dma_wait3A_52 = tpu.memref_squeeze %dma_wait3A_51 : memref<1x10240xf32, #tpu.memory_space<hbm>> -> memref<10240xf32, #tpu.memory_space<hbm>>
      %dma_wait3A_53 = arith.constant 0 : i32
      %dma_wait3A_54 = tpu.memref_slice %arg8[%add3A, %dma_wait3A_53] : memref<32x10240xf32, #tpu.memory_space<hbm>> -> memref<1x10240xf32, #tpu.memory_space<hbm>>
      %dma_wait3A_55 = tpu.memref_squeeze %dma_wait3A_54 : memref<1x10240xf32, #tpu.memory_space<hbm>> -> memref<10240xf32, #tpu.memory_space<hbm>>
      tpu.wait_dma2 semaphore(%run_scoped3A : memref<!tpu.dma_semaphore, #tpu.memory_space<semaphore_mem>>) src(%arg10 : memref<10240xf32, #tpu.memory_space<vmem>>) dst(%dma_wait3A_55 : memref<10240xf32, #tpu.memory_space<hbm>>)
      tpu.yield
    }) : () -> ()
    return
  }
}

module attributes {stable_mosaic.version = 14 : i64} {
  func.func @_tc_body(%arg0: i32, %arg1: memref<1024x128xf32, #tpu.memory_space<vmem>>, %arg2: memref<1024x128xf32, #tpu.memory_space<vmem>>, %arg3: memref<32x1024xf32, #tpu.memory_space<vmem>>, %arg4: memref<1024x128xf32, #tpu.memory_space<vmem>>, %arg5: memref<128x128xf32, #tpu.memory_space<vmem>>, %arg6: memref<128x128xf32, #tpu.memory_space<vmem>>, %arg7: memref<1x128xf32, #tpu.memory_space<vmem>>, %arg8: memref<1024x128xf32, #tpu.memory_space<vmem>>) attributes {dimension_semantics = [#tpu.dimension_semantics<arbitrary>], iteration_bounds = array<i64: 2>, scalar_prefetch = 0 : i64, scratch_operands = 0 : i64, tpu.core_type = #tpu.core_type<tc>, window_params = [{transform_indices = @transform_0, window_bounds = array<i64: 1024, 128>}, {transform_indices = @transform_1, window_bounds = array<i64: 1024, 128>}, {transform_indices = @transform_2, window_bounds = array<i64: 32, 1024>}, {transform_indices = @transform_3, window_bounds = array<i64: 1024, 128>}, {pipeline_mode = #tpu.pipeline_mode<synchronous>, transform_indices = @transform_4, window_bounds = array<i64: 128, 128>}, {pipeline_mode = #tpu.pipeline_mode<synchronous>, transform_indices = @transform_5, window_bounds = array<i64: 128, 128>}, {pipeline_mode = #tpu.pipeline_mode<synchronous>, transform_indices = @transform_6, window_bounds = array<i64: 1, 128>}, {transform_indices = @transform_7, window_bounds = array<i64: 1024, 128>}]} {
    %get3A = arith.constant 0 : index
    %get3A_0 = arith.constant 0 : index
    %get3A_1 = vector.load %arg1[%get3A, %get3A_0] : memref<1024x128xf32, #tpu.memory_space<vmem>>, vector<1024x128xf32>
    %get3A_2 = arith.constant 0 : index
    %get3A_3 = arith.constant 0 : index
    %get3A_4 = vector.load %arg2[%get3A_2, %get3A_3] : memref<1024x128xf32, #tpu.memory_space<vmem>>, vector<1024x128xf32>
    %add3A = arith.addf %get3A_1, %get3A_4 : vector<1024x128xf32>
    %get3A_5 = arith.constant 0 : index
    %get3A_6 = arith.constant 0 : index
    %get3A_7 = vector.load %arg3[%get3A_5, %get3A_6] : memref<32x1024xf32, #tpu.memory_space<vmem>>, vector<32x1024xf32>
    %reduce_sum3A = arith.constant dense<0.000000e+00> : vector<1024xf32>
    %reduce_sum3A_8 = vector.multi_reduction <add>, %get3A_7, %reduce_sum3A [0] : vector<32x1024xf32> to vector<1024xf32>
    %max3A = arith.constant 1.000000e+00 : f32
    %max3A_9 = vector.broadcast %max3A : f32 to vector<1024xf32>
    %max3A_10 = arith.maximumf %reduce_sum3A_8, %max3A_9 : vector<1024xf32>
    %broadcast_in_dim3A = vector.shape_cast %max3A_10 : vector<1024xf32> to vector<1024x1xf32>
    %div3A = vector.broadcast %broadcast_in_dim3A : vector<1024x1xf32> to vector<1024x128xf32>
    %div3A_11 = arith.divf %add3A, %div3A : vector<1024x128xf32>
    %get3A_12 = arith.constant 0 : index
    %get3A_13 = arith.constant 0 : index
    %get3A_14 = vector.load %arg5[%get3A_12, %get3A_13] : memref<128x128xf32, #tpu.memory_space<vmem>>, vector<128x128xf32>
    %dot_general3A = arith.constant dense<0.000000e+00> : vector<1024x128xf32>
    %dot_general3A_15 = tpu.matmul %div3A_11, %get3A_14, %dot_general3A {dimension_numbers = #tpu.dot_dimension_numbers<[1], [1], [0], [0], [0, 0, 1, 0], [], []>, transpose_lhs_hint = false} : vector<1024x128xf32>, vector<128x128xf32>, vector<1024x128xf32> -> vector<1024x128xf32>
    %get3A_16 = arith.constant 0 : index
    %get3A_17 = arith.constant 0 : index
    %get3A_18 = vector.load %arg4[%get3A_16, %get3A_17] : memref<1024x128xf32, #tpu.memory_space<vmem>>, vector<1024x128xf32>
    %get3A_19 = arith.constant 0 : index
    %get3A_20 = arith.constant 0 : index
    %get3A_21 = vector.load %arg6[%get3A_19, %get3A_20] : memref<128x128xf32, #tpu.memory_space<vmem>>, vector<128x128xf32>
    %dot_general3A_22 = arith.constant dense<0.000000e+00> : vector<1024x128xf32>
    %dot_general3A_23 = tpu.matmul %get3A_18, %get3A_21, %dot_general3A_22 {dimension_numbers = #tpu.dot_dimension_numbers<[1], [1], [0], [0], [0, 0, 1, 0], [], []>, transpose_lhs_hint = false} : vector<1024x128xf32>, vector<128x128xf32>, vector<1024x128xf32> -> vector<1024x128xf32>
    %add3A_24 = arith.addf %dot_general3A_15, %dot_general3A_23 : vector<1024x128xf32>
    %get3A_25 = arith.constant 0 : index
    %get3A_26 = arith.constant 0 : index
    %get3A_27 = vector.load %arg7[%get3A_25, %get3A_26] : memref<1x128xf32, #tpu.memory_space<vmem>>, vector<1x128xf32>
    %add3A_28 = vector.broadcast %get3A_27 : vector<1x128xf32> to vector<1024x128xf32>
    %add3A_29 = arith.addf %add3A_24, %add3A_28 : vector<1024x128xf32>
    %logistic3A = arith.negf %add3A_29 : vector<1024x128xf32>
    %logistic3A_30 = math.exp %logistic3A : vector<1024x128xf32>
    %logistic3A_31 = arith.constant 1.000000e+00 : f32
    %logistic3A_32 = vector.broadcast %logistic3A_31 : f32 to vector<1024x128xf32>
    %logistic3A_33 = arith.addf %logistic3A_32, %logistic3A_30 : vector<1024x128xf32>
    %logistic3A_34 = arith.divf %logistic3A_32, %logistic3A_33 : vector<1024x128xf32>
    %swap3A = arith.constant 0 : index
    %swap3A_35 = arith.constant 0 : index
    %swap3A_36 = vector.load %arg8[%swap3A, %swap3A_35] : memref<1024x128xf32, #tpu.memory_space<vmem>>, vector<1024x128xf32>
    tpu.vector_store %arg8[%swap3A, %swap3A_35], %logistic3A_34 {strides = array<i32>} : memref<1024x128xf32, #tpu.memory_space<vmem>>, vector<1024x128xf32>,
    return
  }
  func.func @transform_0(%arg0: i32) -> (i32, i32) {
    %c0_i32 = arith.constant 0 : i32
    %c0_i32_0 = arith.constant 0 : i32
    return %arg0, %c0_i32 : i32, i32
  }
  func.func @transform_1(%arg0: i32) -> (i32, i32) {
    %add3A = arith.constant 2 : i32
    %add3A_0 = arith.addi %arg0, %add3A : i32
    %c0_i32 = arith.constant 0 : i32
    %c0_i32_1 = arith.constant 0 : i32
    return %add3A_0, %c0_i32 : i32, i32
  }
  func.func @transform_2(%arg0: i32) -> (i32, i32) {
    %c0_i32 = arith.constant 0 : i32
    %c0_i32_0 = arith.constant 0 : i32
    return %c0_i32, %arg0 : i32, i32
  }
  func.func @transform_3(%arg0: i32) -> (i32, i32) {
    %c0_i32 = arith.constant 0 : i32
    %c0_i32_0 = arith.constant 0 : i32
    return %arg0, %c0_i32 : i32, i32
  }
  func.func @transform_4(%arg0: i32) -> (i32, i32) {
    %c0_i32 = arith.constant 0 : i32
    %c0_i32_0 = arith.constant 0 : i32
    %c0_i32_1 = arith.constant 0 : i32
    return %c0_i32, %c0_i32_0 : i32, i32
  }
  func.func @transform_5(%arg0: i32) -> (i32, i32) {
    %c0_i32 = arith.constant 0 : i32
    %c0_i32_0 = arith.constant 0 : i32
    %c0_i32_1 = arith.constant 0 : i32
    return %c0_i32, %c0_i32_0 : i32, i32
  }
  func.func @transform_6(%arg0: i32) -> (i32, i32) {
    %c0_i32 = arith.constant 0 : i32
    %c0_i32_0 = arith.constant 0 : i32
    %c0_i32_1 = arith.constant 0 : i32
    return %c0_i32, %c0_i32_0 : i32, i32
  }
  func.func @transform_7(%arg0: i32) -> (i32, i32) {
    %c0_i32 = arith.constant 0 : i32
    %c0_i32_0 = arith.constant 0 : i32
    return %arg0, %c0_i32 : i32, i32
  }
}

module attributes {stable_mosaic.version = 14 : i64} {
  func.func @_tc_body(%arg0: i32, %arg1: memref<1024x128xf32, #tpu.memory_space<vmem>>, %arg2: memref<1024x128xf32, #tpu.memory_space<vmem>>, %arg3: memref<32x1024xf32, #tpu.memory_space<vmem>>, %arg4: memref<1024x128xf32, #tpu.memory_space<vmem>>, %arg5: memref<128x128xf32, #tpu.memory_space<vmem>>, %arg6: memref<128x128xf32, #tpu.memory_space<vmem>>, %arg7: memref<1x128xf32, #tpu.memory_space<vmem>>, %arg8: memref<1024x128xf32, #tpu.memory_space<vmem>>) attributes {dimension_semantics = [#tpu.dimension_semantics<arbitrary>], iteration_bounds = array<i64: 10>, scalar_prefetch = 0 : i64, scratch_operands = 0 : i64, tpu.core_type = #tpu.core_type<tc>, window_params = [{transform_indices = @transform_0, window_bounds = array<i64: 1024, 128>}, {transform_indices = @transform_1, window_bounds = array<i64: 1024, 128>}, {transform_indices = @transform_2, window_bounds = array<i64: 32, 1024>}, {transform_indices = @transform_3, window_bounds = array<i64: 1024, 128>}, {pipeline_mode = #tpu.pipeline_mode<synchronous>, transform_indices = @transform_4, window_bounds = array<i64: 128, 128>}, {pipeline_mode = #tpu.pipeline_mode<synchronous>, transform_indices = @transform_5, window_bounds = array<i64: 128, 128>}, {pipeline_mode = #tpu.pipeline_mode<synchronous>, transform_indices = @transform_6, window_bounds = array<i64: 1, 128>}, {transform_indices = @transform_7, window_bounds = array<i64: 1024, 128>}]} {
    %get3A = arith.constant 0 : index
    %get3A_0 = arith.constant 0 : index
    %get3A_1 = vector.load %arg1[%get3A, %get3A_0] : memref<1024x128xf32, #tpu.memory_space<vmem>>, vector<1024x128xf32>
    %get3A_2 = arith.constant 0 : index
    %get3A_3 = arith.constant 0 : index
    %get3A_4 = vector.load %arg2[%get3A_2, %get3A_3] : memref<1024x128xf32, #tpu.memory_space<vmem>>, vector<1024x128xf32>
    %add3A = arith.addf %get3A_1, %get3A_4 : vector<1024x128xf32>
    %get3A_5 = arith.constant 0 : index
    %get3A_6 = arith.constant 0 : index
    %get3A_7 = vector.load %arg3[%get3A_5, %get3A_6] : memref<32x1024xf32, #tpu.memory_space<vmem>>, vector<32x1024xf32>
    %reduce_sum3A = arith.constant dense<0.000000e+00> : vector<1024xf32>
    %reduce_sum3A_8 = vector.multi_reduction <add>, %get3A_7, %reduce_sum3A [0] : vector<32x1024xf32> to vector<1024xf32>
    %max3A = arith.constant 1.000000e+00 : f32
    %max3A_9 = vector.broadcast %max3A : f32 to vector<1024xf32>
    %max3A_10 = arith.maximumf %reduce_sum3A_8, %max3A_9 : vector<1024xf32>
    %broadcast_in_dim3A = vector.shape_cast %max3A_10 : vector<1024xf32> to vector<1024x1xf32>
    %div3A = vector.broadcast %broadcast_in_dim3A : vector<1024x1xf32> to vector<1024x128xf32>
    %div3A_11 = arith.divf %add3A, %div3A : vector<1024x128xf32>
    %get3A_12 = arith.constant 0 : index
    %get3A_13 = arith.constant 0 : index
    %get3A_14 = vector.load %arg5[%get3A_12, %get3A_13] : memref<128x128xf32, #tpu.memory_space<vmem>>, vector<128x128xf32>
    %dot_general3A = arith.constant dense<0.000000e+00> : vector<1024x128xf32>
    %dot_general3A_15 = tpu.matmul %div3A_11, %get3A_14, %dot_general3A {dimension_numbers = #tpu.dot_dimension_numbers<[1], [1], [0], [0], [0, 0, 1, 0], [], []>, transpose_lhs_hint = false} : vector<1024x128xf32>, vector<128x128xf32>, vector<1024x128xf32> -> vector<1024x128xf32>
    %get3A_16 = arith.constant 0 : index
    %get3A_17 = arith.constant 0 : index
    %get3A_18 = vector.load %arg4[%get3A_16, %get3A_17] : memref<1024x128xf32, #tpu.memory_space<vmem>>, vector<1024x128xf32>
    %get3A_19 = arith.constant 0 : index
    %get3A_20 = arith.constant 0 : index
    %get3A_21 = vector.load %arg6[%get3A_19, %get3A_20] : memref<128x128xf32, #tpu.memory_space<vmem>>, vector<128x128xf32>
    %dot_general3A_22 = arith.constant dense<0.000000e+00> : vector<1024x128xf32>
    %dot_general3A_23 = tpu.matmul %get3A_18, %get3A_21, %dot_general3A_22 {dimension_numbers = #tpu.dot_dimension_numbers<[1], [1], [0], [0], [0, 0, 1, 0], [], []>, transpose_lhs_hint = false} : vector<1024x128xf32>, vector<128x128xf32>, vector<1024x128xf32> -> vector<1024x128xf32>
    %add3A_24 = arith.addf %dot_general3A_15, %dot_general3A_23 : vector<1024x128xf32>
    %get3A_25 = arith.constant 0 : index
    %get3A_26 = arith.constant 0 : index
    %get3A_27 = vector.load %arg7[%get3A_25, %get3A_26] : memref<1x128xf32, #tpu.memory_space<vmem>>, vector<1x128xf32>
    %add3A_28 = vector.broadcast %get3A_27 : vector<1x128xf32> to vector<1024x128xf32>
    %add3A_29 = arith.addf %add3A_24, %add3A_28 : vector<1024x128xf32>
    %max3A_30 = arith.constant 0.000000e+00 : f32
    %max3A_31 = vector.broadcast %max3A_30 : f32 to vector<1024x128xf32>
    %max3A_32 = arith.maximumf %add3A_29, %max3A_31 : vector<1024x128xf32>
    %swap3A = arith.constant 0 : index
    %swap3A_33 = arith.constant 0 : index
    %swap3A_34 = vector.load %arg8[%swap3A, %swap3A_33] : memref<1024x128xf32, #tpu.memory_space<vmem>>, vector<1024x128xf32>
    tpu.vector_store %arg8[%swap3A, %swap3A_33], %max3A_32 {strides = array<i32>} : memref<1024x128xf32, #tpu.memory_space<vmem>>, vector<1024x128xf32>,
    return
  }
  func.func @transform_0(%arg0: i32) -> (i32, i32) {
    %c0_i32 = arith.constant 0 : i32
    %c0_i32_0 = arith.constant 0 : i32
    return %arg0, %c0_i32 : i32, i32
  }
  func.func @transform_1(%arg0: i32) -> (i32, i32) {
    %add3A = arith.constant 10 : i32
    %add3A_0 = arith.addi %arg0, %add3A : i32
    %c0_i32 = arith.constant 0 : i32
    %c0_i32_1 = arith.constant 0 : i32
    return %add3A_0, %c0_i32 : i32, i32
  }
  func.func @transform_2(%arg0: i32) -> (i32, i32) {
    %c0_i32 = arith.constant 0 : i32
    %c0_i32_0 = arith.constant 0 : i32
    return %c0_i32, %arg0 : i32, i32
  }
  func.func @transform_3(%arg0: i32) -> (i32, i32) {
    %c0_i32 = arith.constant 0 : i32
    %c0_i32_0 = arith.constant 0 : i32
    return %arg0, %c0_i32 : i32, i32
  }
  func.func @transform_4(%arg0: i32) -> (i32, i32) {
    %c0_i32 = arith.constant 0 : i32
    %c0_i32_0 = arith.constant 0 : i32
    %c0_i32_1 = arith.constant 0 : i32
    return %c0_i32, %c0_i32_0 : i32, i32
  }
  func.func @transform_5(%arg0: i32) -> (i32, i32) {
    %c0_i32 = arith.constant 0 : i32
    %c0_i32_0 = arith.constant 0 : i32
    %c0_i32_1 = arith.constant 0 : i32
    return %c0_i32, %c0_i32_0 : i32, i32
  }
  func.func @transform_6(%arg0: i32) -> (i32, i32) {
    %c0_i32 = arith.constant 0 : i32
    %c0_i32_0 = arith.constant 0 : i32
    %c0_i32_1 = arith.constant 0 : i32
    return %c0_i32, %c0_i32_0 : i32, i32
  }
  func.func @transform_7(%arg0: i32) -> (i32, i32) {
    %c0_i32 = arith.constant 0 : i32
    %c0_i32_0 = arith.constant 0 : i32
    return %arg0, %c0_i32 : i32, i32
  }
}

</mosaic_0001>

<sc_bundles>
// kernel: kernel.6.cloned.1.call-start
scs
__scs_entry_jumppad:
0x0: {  	(pc) =	sbr.rel $0x88, $3  }
0x1: {  	(tag) =	ssettag $0x0;
	lr =	simm.s32 $0x1  }
0x2: {  	[smem:$0x3F98] =	sst lr;
	_ =	strace $0xD0000000  }
0x3: {  	_ = 	snop  }
0x4: {  	_ = 	snop  }
0x5: {  	_ = 	snop  }
0x6: {  	_ = 	snop  }
0x7: {  	_ = 	snop  }
__scs_overlays_trampoline_lowered:
0x8: {  	[smem:$0x3FA7] =	sst s0  }
0x9: {  	[smem:$0x3FA8] =	sst s1  }
0xa: {  	[smem:$0x3FA9] =	sst s2  }
0xb: {  	[smem:$0x3FAA] =	sst s3  }
0xc: {  	[smem:$0x3FAB] =	sst s4  }
0xd: {  	[smem:$0x3FAC] =	sst s5  }
0xe: {  	[smem:$0x3FAD] =	sst s6  }
0xf: {  	[smem:$0x3FAE] =	sst s7  }
0x10: {  	[smem:$0x3FAF] =	sst s8  }
0x11: {  	[smem:$0x3FB0] =	sst s9;
	s0 =	simm.s32 @!p0 $0x0  }
0x12: {  	s1 =	sld [smem:$0x3F96];
	s0 =	simm.s32 @p0 $0x1  }
0x13: {  	[smem:$0x3FB1] =	sst s0;
	s0 =	simm.s32 @!p1 $0x0  }
0x14: {  	s2 =	sld [smem:$0x3F95];
	s0 =	simm.s32 @p1 $0x1  }
0x15: {  	[smem:$0x3FB2] =	sst s0;
	s0 =	simm.s32 @!p2 $0x0  }
0x16: {  	s3 =	sld [smem:$0x3FDB];
	s0 =	simm.s32 @p2 $0x1  }
0x17: {  	s4 =	simm.s32 $0x1BF5;
	[smem:$0x3FB4] =	sst s0  }
0x18: {  	s0 =	sld [smem:$0x3F97];
	_ =	swait.ge [sflag:s4], $0x0  }
0x19: {  	s7 =	sld [smem:$0x3F98]  }
0x1a: {  	s8 =	sadd.s32 $0xFFFFE003, lr  }
0x1b: {  	s9 =	sadd.s32 $0xFFFFFEF7, lr;
	s5 =	simm.s32 $0xFFFFFFFF;
	p2 =	slt.u32 s8, $0xFFFFF086  }
0x1c: {  	p1 =	slt.u32 s9, $0xF7A;
	s5 =	simm.s32 @!p2 $0x0  }
0x1d: {  	s5 =	simm.s32 @p1 $0x1;
	p0 =	seq.s32 s7, s2  }
0x1e: {  	s7 =	smul.u32 @!p0 $0xF7A, s2;
	p2 =	seq.s32 @!p0 s5, $0x0  }
0x1f: {  	s9 =	smul.u32 $0xF7A, s1;
	s8 =	simm.s32 @!p0 $0x1BF5;
	p2 =	por !p2, p0  }
0x20: {  	[sflag:s8] =	ssyncset.s32 @!p0 $0xFFFFF086;
	s6 =	sadd.s32 @!p0 s3, s7;
	s7 =	simm.s32 @!p0 $0x108  }
0x21: {  	s3 =	sadd.s32 s3, s9;
	s6 =	sadd.s32 @!p0 $0x88, s6;
	s7 =	simm.s32 @p2 $0x1082  }
0x22: {  	[simem:s7], [sflag:s8] =	dma.local @!p0 [hbm:s6], $0xF7A  }
0x23: {  	s9 =	sor.u32 $0xD0000000, s2;
	s6 =	simm.s32 $0x108;
	_ =	swait.ge @!p0 [sflag:s8], $0x0  }
0x24: {  	s3 =	sadd.s32 $0x88, s3;
	s6 =	simm.s32 @!p1 $0x1082;
	[sflag:s4] =	ssyncset.s32 $0xFFFFF086  }
0x25: {  	[simem:s6], [sflag:s4] =	dma.local [hbm:s3], $0xF7A  }
0x26: {  	[smem:$0x3F98] =	sst s1;
	(tag) =	ssettag s2;
	_ =	strace s9  }
0x27: {  	s1 =	sld [smem:$0x3FA8]  }
0x28: {  	s2 =	sld [smem:$0x3FA9]  }
0x29: {  	s4 =	sld [smem:$0x3FAB]  }
0x2a: {  	p0 =	seq.s32 s5, $0x0;
	s5 =	sld [smem:$0x3FAC]  }
0x2b: {  	s6 =	sld [smem:$0x3FAD]  }
0x2c: {  	s7 =	sld [smem:$0x3FAE]  }
0x2d: {  	s3 =	simm.s32 $0x108;
	s8 =	sld [smem:$0x3FAF]  }
0x2e: {  	s3 =	simm.s32 @!p0 $0x1082;
	s9 =	sld [smem:$0x3FB0]  }
0x2f: {  	lr =	sadd.s32 s0, s3;
	s0 =	sld [smem:$0x3FA7]  }
0x30: {  	s3 =	sld [smem:$0x3FAA]  }
0x31: {  	[smem:$0x3FB3] =	sst s10  }
0x32: {  	s10 =	sld [smem:$0x3FB1];
	_ =	sdelay $0x3  }
0x33: {  	p0 =	seq.s32 s10, $0x1;
	s10 =	sld [smem:$0x3FB3];
	_ =	sdelay $0x3  }
0x34: {  	[smem:$0x3FB3] =	sst s10  }
0x35: {  	s10 =	sld [smem:$0x3FB2];
	_ =	sdelay $0x3  }
0x36: {  	p1 =	seq.s32 s10, $0x1;
	s10 =	sld [smem:$0x3FB3];
	_ =	sdelay $0x3  }
0x37: {  	[smem:$0x3FB3] =	sst s10  }
0x38: {  	s10 =	sld [smem:$0x3FB4]  }
0x39: {  	_ = 	snop;
	(pc) =	sbr.ind lr, $3  }
0x3a: {  	_ = 	snop  }
0x3b: {  	_ = 	snop  }
0x3c: {  	p2 =	seq.s32 s10, $0x1;
	s10 =	sld [smem:$0x3FB3]  }
0x3d: {  	_ =	shalt  }
0x3e: {  	_ =	shalt  }
0x3f: {  	_ =	shalt  }
0x40: {  	_ =	shalt  }
0x41: {  	_ =	shalt  }
0x42: {  	_ =	shalt  }
0x43: {  	_ =	shalt  }
0x44: {  	_ =	shalt  }
0x45: {  	_ =	shalt  }
0x46: {  	_ =	shalt  }
0x47: {  	_ =	shalt  }
0x48: {  	_ =	shalt  }
0x49: {  	_ =	shalt  }
0x4a: {  	_ =	shalt  }
0x4b: {  	_ =	shalt  }
0x4c: {  	_ =	shalt  }
0x4d: {  	_ =	shalt  }
0x4e: {  	_ =	shalt  }
0x4f: {  	_ =	shalt  }
0x50: {  	_ =	shalt  }
0x51: {  	_ =	shalt  }
0x52: {  	_ =	shalt  }
0x53: {  	_ =	shalt  }
0x54: {  	_ =	shalt  }
0x55: {  	_ =	shalt  }
0x56: {  	_ =	shalt  }
0x57: {  	_ =	shalt  }
0x58: {  	_ =	shalt  }
0x59: {  	_ =	shalt  }
0x5a: {  	_ =	shalt  }
0x5b: {  	_ =	shalt  }
0x5c: {  	_ =	shalt  }
0x5d: {  	_ =	shalt  }
0x5e: {  	_ =	shalt  }
0x5f: {  	_ =	shalt  }
0x60: {  	_ =	shalt  }
0x61: {  	_ =	shalt  }
0x62: {  	_ =	shalt  }
0x63: {  	_ =	shalt  }
0x64: {  	_ =	shalt  }
0x65: {  	_ =	shalt  }
0x66: {  	_ =	shalt  }
0x67: {  	_ =	shalt  }
0x68: {  	_ =	shalt  }
0x69: {  	_ =	shalt  }
0x6a: {  	_ =	shalt  }
0x6b: {  	_ =	shalt  }
0x6c: {  	_ =	shalt  }
0x6d: {  	_ =	shalt  }
0x6e: {  	_ =	shalt  }
0x6f: {  	_ =	shalt  }
0x70: {  	_ =	shalt  }
0x71: {  	_ =	shalt  }
0x72: {  	_ =	shalt  }
0x73: {  	_ =	shalt  }
0x74: {  	_ =	shalt  }
0x75: {  	_ =	shalt  }
0x76: {  	_ =	shalt  }
0x77: {  	_ =	shalt  }
0x78: {  	_ =	shalt  }
0x79: {  	_ =	shalt  }
0x7a: {  	_ =	shalt  }
0x7b: {  	_ =	shalt  }
0x7c: {  	_ =	shalt  }
0x7d: {  	_ =	shalt  }
0x7e: {  	_ =	shalt  }
0x7f: {  	_ =	shalt  }
0x80: {  	_ =	shalt  }
0x81: {  	_ =	shalt  }
0x82: {  	_ =	shalt  }
0x83: {  	_ =	shalt  }
0x84: {  	_ =	shalt  }
0x85: {  	_ =	shalt  }
0x86: {  	_ =	shalt  }
0x87: {  	_ =	shalt  }
.Lfunc_end0:
.L_simem_size_0:
called_computation_lowered:
.L_overlay_start_0:
0x88: {  	s2 =	sld [smem:$0x3FD9]  }
0x89: {  	s3 =	sld [smem:$0x3FFE];
	_ =	sdelay $0x1  }
0x8a: {  	s1 =	srdreg.scid  }
0x8b: {  	s0 =	sand.u32 $0x1, s1  }
0x8c: {  	s17 =	sshll.u32 s0, $0xA;
	s2 =	sadd.s32 s3, s2  }
0x8d: {  	s2 =	sadd.s32 s2, s17  }
0x8e: {  	[smem:$0x3FBF] =	sst s2  }
0x8f: {  	_ = 	snop  }
0x90: {  	s2 =	sld [smem:$0x3FC9]  }
0x91: {  	s18 =	sld [smem:$0x3FD0];
	(tm) =	ssettm $0x1  }
0x92: {  	s4 =	sld [smem:$0x3FFB];
	_ =	sdelay $0x3  }
0x93: {  	_ =	strace s4  }
0x94: {  	s4 =	sld [smem:$0x3FFC];
	_ =	sdelay $0x3  }
0x95: {  	_ =	strace s4  }
0x96: {  	s4 =	sld [smem:$0x3FFD];
	_ =	sdelay $0x3  }
0x97: {  	_ =	strace s4  }
0x98: {  	_ =	strace $0x8FFFFFFF  }
0x99: {  	s19 =	sld [smem:$0x3FDB];
	_ =	sdelay $0x1  }
0x9a: {  	s5 =	simm.s32 $_scs_section_size  }
0x9b: {  	s6 =	simm.s32 $_size__tile_overlayer_lowered;
	s7 =	simm.s32 $_tile_overlayer_lowered  }
0x9c: {  	s22 =	simm.s32 $0x1BFF;
	s21 =	sshll.u32 s7, $0x1;
	s4 =	sadd.s32 s5, s19  }
0x9d: {  	s8 =	simm.s32 $0x0;
	s20 =	sshll.u32 s6, $0x1;
	s6 =	sadd.s32 s21, s4  }
0x9e: {  	[timem:s8], [sflag:s22] =	dma.local [hbm:s6], s20  }
0x9f: {  	_ =	swait.ge [sflag:s22], s20  }
0xa0: {  	s5 =	ssub.s32 $0x0, s20;
	[sflag:s22] =	ssyncset.done $0x0  }
0xa1: {  	[sflag:s22] =	ssyncadd.s32 s5;
	_ =	sdelay $0x1  }
0xa2: {  	s23 =	simm.s32 $0x1B8B  }
0xa3: {  	_ =	swait.ge [sflag:s23], $0x1  }
0xa4: {  	[sflag:s23] =	ssyncset.done $0x0  }
0xa5: {  	s25 =	simm.s32 $0x1B8E;
	s24 =	sld [smem:$0x3FFE];
	[sflag:s23] =	ssyncadd.s32 $0xFFFFFFFF  }
0xa6: {  	s26 =	simm.s32 $execute0_lowered;
	[smem:$0x3FD2] =	sst s25  }
0xa7: {  	s6 =	sshll.u32 s26, $0x1;
	_ =	strace $0x80000046;
	[dreg:$0x1] =	wrdreg $0xFFFFFFFF  }
0xa8: {  	s28 =	simm.s32 $_size_execute0_lowered;
	s4 =	sadd.s32 s4, s6;
	[dreg:$0x0] =	wrdreg $0x0  }
0xa9: {  	s6 =	sshll.u32 s28, $0x1;
	[dreg:$0x2] =	wrdreg s4  }
0xaa: {  	[dreg:$0x3] =	wrdreg s6  }
0xab: {  	[dreg:$0x4] =	wrdreg $0xC0  }
0xac: {  	_ =	task [dreg:s8], $0x5FFFF  }
0xad: {  	[dreg:$0x1] =	wrdreg $0xFFFFFFFF  }
0xae: {  	[dreg:$0x0] =	wrdreg $0x60  }
0xaf: {  	[dreg:$0x2] =	wrdreg s2  }
0xb0: {  	[dreg:$0x3] =	wrdreg s24  }
0xb1: {  	[dreg:$0x4] =	wrdreg s18  }
0xb2: {  	[dreg:$0x5] =	wrdreg $0xB2000  }
0xb3: {  	[dreg:$0x6] =	wrdreg $0x9  }
0xb4: {  	_ =	task.clear_ibuf [dreg:s8], $0x7FFFF;
	_ =	strace $0x90000046  }
0xb5: {  	s29 =	simm.s32 $0x9;
	_ =	strace $0x80000048  }
0xb6: {  	_ =	swait.ge [sflag:s29], $0x1  }
0xb7: {  	[sflag:s29] =	ssyncadd.s32 $0xFFFFFFFF  }
0xb8: {  	_ =	strace $0x90000048  }
0xb9: {  	_ =	sfence  }
0xba: {  	s30 =	sld [smem:$0x0];
	_ =	sdelay $0x2  }
0xbb: {  	s31 =	sshll.u32 s1, $0xD;
	s1 =	sshrl.u32 s1, $0x2  }
0xbc: {  	s3 =	sand.u32 $0x4000, s31;
	s1 =	sadd.s32 s1, s30  }
0xbd: {  	s0 =	sor.u32 s3, s0;
	s1 =	sshll.u32 s1, $0x11  }
0xbe: {  	s0 =	sor.u32 s1, s0  }
0xbf: {  	s0 =	sadd.s32 $0x8F2B, s0  }
0xc0: {  	[sflag:s0] =	ssyncadd.remote.s32 $0x1  }
0xc1: {  	_ =	sfence.sel $0xFFFF  }
0xc2: {  	[dreg:$0x0] =	wrdreg $0xFFFFFFFF;
	(pc) =	sbr.abs _section_cstart, $3  }
0xc3: {  	[dreg:$0x1] =	wrdreg $0xFFFFFFFF  }
0xc4: {  	_ =	task.clear_ibuf [dreg:s8], $0x2FFFF;
	_ =	strace $0x9FFFFFFF  }
0xc5: {  	(tm) =	ssettm $0x7FFFFFFF  }
tec
execute0_lowered:
.L_overlay_start_1:
0x0: {  	(tag) =	ssettag $0x1  }
0x1: {  	s1 =	rddreg [dreg:$0x0]  }
0x2: {  	s0 =	rddreg [dreg:$0x1]  }
0x3: {  	s3 =	rddreg [dreg:$0x3];
	s5 =	simm.s32 $0x0;
	s2 =	srdreg.scid  }
0x4: {  	s4 =	stileid.u32;
	s28 =	simm.s32 $0x6980;
	s29 =	simm.s32 $0x10  }
0x5: {  	s30 =	simm.s32 $0xAA00;
	s31 =	simm.s32 $0x400;
	s7 =	smul.u32 $0x2800, s4  }
0x6: {  	[smem:$0x7FF] =	sst s5;
	s2 =	sand.u32 $0x1, s2;
	s21 =	smul.u32 $0x50000, s4  }
0x7: {  	s6 =	sshll.u32 s4, $0x1;
	s19 =	sshrl.u32 s4, $0x2;
	s15 =	smul.u32 $0x4E20, s4  }
0x8: {  	s18 =	sadd.s32 $0xBC00, s0;
	s17 =	sadd.s32 $0x1E00, s0;
	s8 =	smul.u32 $0x28000, s2  }
0x9: {  	_ =	strace $0x80000047;
	s9 =	sor.u32 s2, s6;
	s10 =	smul.u32 $0x14000, s19  }
0xa: {  	s6 =	sadd.s32 $0x15A00, s0;
	s23 =	ssub.s32 $0x2, s2;
	s2 =	smul.u32 $0x2710, s2  }
0xb: {  	s19 =	simm.s32 $0x2;
	s11 =	sshll.u32 s9, $0x7;
	s24 =	sshrl.u32 s23, $0x1  }
0xc: {  	s9 =	smul.u32 $0x2710, s9;
	s11 =	sand.u32 $0x380, s11;
	s7 =	sadd.s32 s7, s8  }
0xd: {  	s16 =	ssub.s32 s23, s24;
	s2 =	sadd.s32 s2, s15;
	s23 =	simm.s32 $0x80  }
0xe: {  	s24 =	simm.s32 $0x6A00;
	s20 =	sor.u32 s10, s11;
	s14 =	sadd.s32 s7, s0  }
0xf: {  	s10 =	sshrl.u32 s21, $0x2;
	s25 =	sshrl.u32 s9, $0x3;
	s16 =	smax.u32 s16, $0x1  }
0x10: {  	s26 =	sshrl.u32 s2, $0x3;
	s21 =	simm.s32 $0x6800;
	s22 =	sshrl.u32 s20, $0x3  }
0x11: {  	s7 =	sadd.s32 s10, s3;
	s13 =	sadd.s32 $0x4E0, s25;
	s14 =	sadd.s32 $0x16200, s14  }
0x12: {  	s20 =	simm.s32 $0x4000;
	s25 =	simm.s32 $0x1;
	s0 =	sadd.s32 s22, s0  }
0x13: {  	s8 =	sadd.s32 $0x4000, s7;
	s9 =	sadd.s32 $0x8000, s7;
	s10 =	sadd.s32 $0xC000, s7  }
0x14: {  	s11 =	sadd.s32 $0x10000, s7;
	s12 =	sadd.s32 s18, s13;
	s13 =	sadd.s32 s17, s13  }
0x15: {  	s17 =	sadd.s32 s26, s17;
	s18 =	sadd.s32 s26, s18;
	s22 =	simm.s32 $0x6880  }
0x16: {  	v0 =	vimm.f32 $1.000000000e+00;
	s26 =	simm.s32 $0x6900;
	s15 =	sadd.s32 $0x66200, s0;
	s0 =	simm.s32 $0x0  }
.LBB2_1:
0x17: {  	[tilespmem:s5], [sflag:$0x2] =	stream.linear.gather [hbm4b:s6+s5], $0x4000, $0x38;
	[tilespmem:$0x1F200] =	vst v63  }
0x18: {  	_ =	swait.ge [sflag:s19], $0x4000  }
0x19: {  	[sflag:s19] =	ssyncset.done $0x0  }
0x1a: {  	[sflag:s19] =	ssyncadd.s32 $0xFFFFC000  }
0x1b: {  	s2 =	rddreg [dreg:$0x2]  }
0x1c: {  	[tilespmem:s20], [sflag:$0x2] =	stream.linear.gather [hbm4b:s2+s5], $0x2800, $0x38;
	[tilespmem:$0x1F200] =	vst v63  }
0x1d: {  	_ =	swait.ge [sflag:s19], $0x2800  }
0x1e: {  	[sflag:s19] =	ssyncset.done $0x0  }
0x1f: {  	[sflag:s19] =	ssyncadd.s32 $0xFFFFD800  }
0x20: {  	[spmem:s7] =	stream.linear.scatter [tilespmem:s5], [sflag:$0x2], $0x4000, $0x38;
	[tilespmem:$0x1F200] =	vst v63  }
0x21: {  	_ =	swait.ge [sflag:s19], $0x4000  }
0x22: {  	[sflag:s19] =	ssyncset.done $0x0  }
0x23: {  	[sflag:s19] =	ssyncadd.s32 $0xFFFFC000  }
0x24: {  	[spmem:s8] =	stream.linear.scatter [tilespmem:s5], [sflag:$0x2], $0x4000, $0x38;
	[tilespmem:$0x1F200] =	vst v63  }
0x25: {  	_ =	swait.ge [sflag:s19], $0x4000  }
0x26: {  	[sflag:s19] =	ssyncset.done $0x0  }
0x27: {  	[sflag:s19] =	ssyncadd.s32 $0xFFFFC000  }
0x28: {  	[spmem:s9] =	stream.linear.scatter [tilespmem:s5], [sflag:$0x2], $0x4000, $0x38;
	[tilespmem:$0x1F200] =	vst v63  }
0x29: {  	_ =	swait.ge [sflag:s19], $0x4000  }
0x2a: {  	[sflag:s19] =	ssyncset.done $0x0  }
0x2b: {  	[sflag:s19] =	ssyncadd.s32 $0xFFFFC000  }
0x2c: {  	[spmem:s10] =	stream.linear.scatter [tilespmem:s5], [sflag:$0x2], $0x4000, $0x38;
	[tilespmem:$0x1F200] =	vst v63  }
0x2d: {  	_ =	swait.ge [sflag:s19], $0x4000  }
0x2e: {  	[sflag:s19] =	ssyncset.done $0x0  }
0x2f: {  	[sflag:s19] =	ssyncadd.s32 $0xFFFFC000  }
0x30: {  	[spmem:s11] =	stream.linear.scatter [tilespmem:s5], [sflag:$0x2], $0x4000, $0x38;
	[tilespmem:$0x1F200] =	vst v63  }
0x31: {  	_ =	swait.ge [sflag:s19], $0x4000  }
0x32: {  	[sflag:s19] =	ssyncset.done $0x0  }
0x33: {  	[sflag:s19] =	ssyncadd.s32 $0xFFFFC000  }
0x34: {  	s2 =	simm.s32 $0x0;
	[bflag:$0x0] =	sbarrier.arrive $0xFFFF  }
.LBB2_2:
0x35: {  	s4 =	sadd.s32 s2, s18  }
0x36: {  	[tilespmem:s21], [sflag:$0x2] =	stream.linear.gather [hbm4b:s4+s5], $0x80, $0x38;
	[tilespmem:$0x1F200] =	vst v63  }
0x37: {  	_ =	swait.ge [sflag:s19], $0x80  }
0x38: {  	[sflag:s19] =	ssyncset.done $0x0  }
0x39: {  	s4 =	sadd.s32 s2, s17;
	[sflag:s19] =	ssyncadd.s32 $0xFFFFFF80  }
0x3a: {  	[tilespmem:s22], [sflag:$0x2] =	stream.linear.gather [hbm4b:s4+s5], $0x80, $0x38;
	[tilespmem:$0x1F200] =	vst v63  }
0x3b: {  	_ =	swait.ge [sflag:s19], $0x80  }
0x3c: {  	[sflag:s19] =	ssyncset.done $0x0  }
0x3d: {  	[sflag:s19] =	ssyncadd.s32 $0xFFFFFF80  }
0x3e: {  	[tilespmem:s24], [sflag:$0x1] =	stream.indirect.gather [hbm4b:s1+s23], $0x80, s21, s23, $0xb8;
	[tilespmem:$0x1F200] =	vst v63  }
0x3f: {  	_ =	swait.ge [sflag:s25], $0x4000  }
0x40: {  	[sflag:s25] =	ssyncset.done $0x0  }
0x41: {  	[sflag:s25] =	ssyncadd.s32 $0xFFFFC000  }
0x42: {  	[spmem:s3] =	stream.indirect.scatter.add.f32 [tilespmem:s24], [sflag:$0x2], $0x80, s22, s23, $0xb8;
	[tilespmem:$0x1F200] =	vst v63  }
0x43: {  	_ =	swait.ge [sflag:s19], $0x4000  }
0x44: {  	[sflag:s19] =	ssyncset.done $0x0  }
0x45: {  	[sflag:s19] =	ssyncadd.s32 $0xFFFFC000  }
0x46: {  	v1 =	vld [tilespmem:$0x6880];
	_ =	sdelay $0x7  }
0x47: {  	[tilespmem:v1+s20+$0x0] =	vst.idx.add.f32.msk $0xffff, v0  }
0x48: {  	v1 =	vld [tilespmem:$0x6890];
	_ =	sdelay $0x7  }
0x49: {  	[tilespmem:v1+s20+$0x0] =	vst.idx.add.f32.msk $0xffff, v0  }
0x4a: {  	v1 =	vld [tilespmem:$0x68A0];
	_ =	sdelay $0x7  }
0x4b: {  	[tilespmem:v1+s20+$0x0] =	vst.idx.add.f32.msk $0xffff, v0  }
0x4c: {  	v1 =	vld [tilespmem:$0x68B0];
	_ =	sdelay $0x7  }
0x4d: {  	[tilespmem:v1+s20+$0x0] =	vst.idx.add.f32.msk $0xffff, v0  }
0x4e: {  	v1 =	vld [tilespmem:$0x68C0];
	_ =	sdelay $0x7  }
0x4f: {  	[tilespmem:v1+s20+$0x0] =	vst.idx.add.f32.msk $0xffff, v0  }
0x50: {  	v1 =	vld [tilespmem:$0x68D0];
	_ =	sdelay $0x7  }
0x51: {  	[tilespmem:v1+s20+$0x0] =	vst.idx.add.f32.msk $0xffff, v0  }
0x52: {  	v1 =	vld [tilespmem:$0x68E0];
	_ =	sdelay $0x7  }
0x53: {  	[tilespmem:v1+s20+$0x0] =	vst.idx.add.f32.msk $0xffff, v0  }
0x54: {  	v1 =	vld [tilespmem:$0x68F0];
	_ =	sdelay $0x2  }
0x55: {  	p0 =	sne.s32 s2, $0x4D0  }
.Ltmp0:
0x56: {  	_ = 	snop;
	(pc) =	sbr.rel @p0 .LBB2_2-.Ltmp0, $2  }
0x57: {  	_ =	sdelay $0x2  }
0x58: {  	s2 =	sadd.s32 $0x10, s2;
	[tilespmem:v1+s20+$0x0] =	vst.idx.add.f32.msk $0xffff, v0  }
0x59: {  	[tilespmem:s26], [sflag:$0x2] =	stream.linear.gather [hbm4b:s12+s5], $0x10, $0x38;
	[tilespmem:$0x1F200] =	vst v63  }
0x5a: {  	_ =	swait.ge [sflag:s19], $0x10  }
0x5b: {  	[sflag:s19] =	ssyncset.done $0x0  }
0x5c: {  	[sflag:s19] =	ssyncadd.s32 $0xFFFFFFF0  }
0x5d: {  	[tilespmem:s28], [sflag:$0x2] =	stream.linear.gather [hbm4b:s13+s5], $0x10, $0x38;
	[tilespmem:$0x1F200] =	vst v63  }
0x5e: {  	_ =	swait.ge [sflag:s19], $0x10  }
0x5f: {  	[sflag:s19] =	ssyncset.done $0x0  }
0x60: {  	[sflag:s19] =	ssyncadd.s32 $0xFFFFFFF0  }
0x61: {  	[tilespmem:s30], [sflag:$0x1] =	stream.indirect.gather [hbm4b:s1+s29], $0x80, s26, s29, $0xb8;
	[tilespmem:$0x1F200] =	vst v63  }
0x62: {  	_ =	swait.ge [sflag:s25], $0x800  }
0x63: {  	[sflag:s25] =	ssyncset.done $0x0  }
0x64: {  	[sflag:s25] =	ssyncadd.s32 $0xFFFFF800  }
0x65: {  	[spmem:s3] =	stream.indirect.scatter.add.f32 [tilespmem:s30], [sflag:$0x2], $0x80, s28, s29, $0xb8;
	[tilespmem:$0x1F200] =	vst v63  }
0x66: {  	_ =	swait.ge [sflag:s19], $0x800  }
0x67: {  	[sflag:s19] =	ssyncset.done $0x0  }
0x68: {  	[sflag:s19] =	ssyncadd.s32 $0xFFFFF800  }
0x69: {  	v1 =	vld [tilespmem:$0x6980];
	_ =	sdelay $0x6  }
0x6a: {  	s2 =	stileid.u32  }
0x6b: {  	s2 =	sshll.u32 s2, $0x6;
	[tilespmem:v1+s20+$0x0] =	vst.idx.add.f32.msk $0xffff, v0  }
0x6c: {  	s4 =	sshrl.u32 s7, $0x3;
	s2 =	sor.u32 $0x1C02, s2;
	[bflag:$0x0] =	sbarrier.arrive $0xFFFF  }
0x6d: {  	[hbm:s14], [sflag:s2] =	dma.local [spmem:s4], $0x2800  }
0x6e: {  	s0 =	sadd.s32 $0x1, s0;
	_ =	swait.ge [sflag:s19], $0x2800  }
0x6f: {  	p0 =	sne.s32 s0, s16;
	[sflag:s19] =	ssyncset.done $0x0  }
.Ltmp1:
0x70: {  	[sflag:s19] =	ssyncadd.s32 $0xFFFFD800;
	(pc) =	sbr.rel @p0 .LBB2_1-.Ltmp1, $4  }
0x71: {  	[hbm4b:s15+s23] =	stream.strided.scatter [tilespmem:s20], [sflag:$0x2], $0x2800, s31, s23, $0x38;
	[tilespmem:$0x1F200] =	vst v63  }
0x72: {  	_ =	swait.ge [sflag:s19], $0x2800  }
0x73: {  	[sflag:s19] =	ssyncset.done $0x0  }
0x74: {  	[sflag:s19] =	ssyncadd.s32 $0xFFFFD800  }
0x75: {  	_ =	sfence.sel $0x180000  }
0x76: {  	[bflag:$0x0] =	sbarrier.arrive $0xFFFF  }
0x77: {  	_ =	strace $0x90000047  }
0x78: {  	s0 =	stileid.u32;
	[bflag:$0x2] =	sbarrier.arrive $0xFFFF  }
0x79: {  	p0 =	sne.s32 s0, $0x0;
	s0 =	rddreg [dreg:$0x4]  }
0x7a: {  	s0 =	sadd.s32 @!p0 $0x100000, s0  }
0x7b: {  	[sflag:s0] =	ssyncadd.tile.s32 @!p0 $0x1;
	_ =	shalt  }
.Lfunc_end2:
_tile_overlayer_lowered:
.L_overlay_start_2:
0x7c: {  	(tag) =	ssettag $0x2  }
0x7d: {  	s0 =	rddreg [dreg:$0x0];
	s2 =	stileid.u32  }
0x7e: {  	s1 =	rddreg [dreg:$0x1];
	p0 =	sne.s32 s2, $0x0  }
0x7f: {  	s3 =	rddreg [dreg:$0x2];
	[bflag:$0x3] =	sbarrier.arrive $0xFFFF;
	s2 =	simm.s32 @!p0 $0x1C02  }
0x80: {  	[timem:s3], [sflag:s2] =	dma.local @!p0 [hbm:s0], s1  }
0x81: {  	s0 =	simm.s32 @!p0 $0x2  }
0x82: {  	_ =	swait.ge @!p0 [sflag:s0], s1  }
0x83: {  	s1 =	ssub.s32 @!p0 $0x0, s1;
	[sflag:s0] =	ssyncset.done @!p0 $0x0  }
0x84: {  	[sflag:s0] =	ssyncadd.s32 @!p0 s1  }
0x85: {  	[bflag:$0x3] =	sbarrier.arrive $0xFFFF  }
0x86: {  	_ =	shalt  }

// kernel: kernel.9.cloned.1.call-start
scs
__scs_entry_jumppad:
0x0: {  	(pc) =	sbr.rel $0x88, $3  }
0x1: {  	(tag) =	ssettag $0x0;
	lr =	simm.s32 $0x1  }
0x2: {  	[smem:$0x3F98] =	sst lr;
	_ =	strace $0xD0000000  }
0x3: {  	_ = 	snop  }
0x4: {  	_ = 	snop  }
0x5: {  	_ = 	snop  }
0x6: {  	_ = 	snop  }
0x7: {  	_ = 	snop  }
__scs_overlays_trampoline_lowered:
0x8: {  	[smem:$0x3FA7] =	sst s0  }
0x9: {  	[smem:$0x3FA8] =	sst s1  }
0xa: {  	[smem:$0x3FA9] =	sst s2  }
0xb: {  	[smem:$0x3FAA] =	sst s3  }
0xc: {  	[smem:$0x3FAB] =	sst s4  }
0xd: {  	[smem:$0x3FAC] =	sst s5  }
0xe: {  	[smem:$0x3FAD] =	sst s6  }
0xf: {  	[smem:$0x3FAE] =	sst s7  }
0x10: {  	[smem:$0x3FAF] =	sst s8  }
0x11: {  	[smem:$0x3FB0] =	sst s9;
	s0 =	simm.s32 @!p0 $0x0  }
0x12: {  	s1 =	sld [smem:$0x3F96];
	s0 =	simm.s32 @p0 $0x1  }
0x13: {  	[smem:$0x3FB1] =	sst s0;
	s0 =	simm.s32 @!p1 $0x0  }
0x14: {  	s2 =	sld [smem:$0x3F95];
	s0 =	simm.s32 @p1 $0x1  }
0x15: {  	[smem:$0x3FB2] =	sst s0;
	s0 =	simm.s32 @!p2 $0x0  }
0x16: {  	s3 =	sld [smem:$0x3FDB];
	s0 =	simm.s32 @p2 $0x1  }
0x17: {  	s4 =	simm.s32 $0x1BF5;
	[smem:$0x3FB4] =	sst s0  }
0x18: {  	s0 =	sld [smem:$0x3F97];
	_ =	swait.ge [sflag:s4], $0x0  }
0x19: {  	s7 =	sld [smem:$0x3F98]  }
0x1a: {  	s8 =	sadd.s32 $0xFFFFE003, lr  }
0x1b: {  	s9 =	sadd.s32 $0xFFFFFEF7, lr;
	s5 =	simm.s32 $0xFFFFFFFF;
	p2 =	slt.u32 s8, $0xFFFFF086  }
0x1c: {  	p1 =	slt.u32 s9, $0xF7A;
	s5 =	simm.s32 @!p2 $0x0  }
0x1d: {  	s5 =	simm.s32 @p1 $0x1;
	p0 =	seq.s32 s7, s2  }
0x1e: {  	s7 =	smul.u32 @!p0 $0xF7A, s2;
	p2 =	seq.s32 @!p0 s5, $0x0  }
0x1f: {  	s9 =	smul.u32 $0xF7A, s1;
	s8 =	simm.s32 @!p0 $0x1BF5;
	p2 =	por !p2, p0  }
0x20: {  	[sflag:s8] =	ssyncset.s32 @!p0 $0xFFFFF086;
	s6 =	sadd.s32 @!p0 s3, s7;
	s7 =	simm.s32 @!p0 $0x108  }
0x21: {  	s3 =	sadd.s32 s3, s9;
	s6 =	sadd.s32 @!p0 $0x88, s6;
	s7 =	simm.s32 @p2 $0x1082  }
0x22: {  	[simem:s7], [sflag:s8] =	dma.local @!p0 [hbm:s6], $0xF7A  }
0x23: {  	s9 =	sor.u32 $0xD0000000, s2;
	s6 =	simm.s32 $0x108;
	_ =	swait.ge @!p0 [sflag:s8], $0x0  }
0x24: {  	s3 =	sadd.s32 $0x88, s3;
	s6 =	simm.s32 @!p1 $0x1082;
	[sflag:s4] =	ssyncset.s32 $0xFFFFF086  }
0x25: {  	[simem:s6], [sflag:s4] =	dma.local [hbm:s3], $0xF7A  }
0x26: {  	[smem:$0x3F98] =	sst s1;
	(tag) =	ssettag s2;
	_ =	strace s9  }
0x27: {  	s1 =	sld [smem:$0x3FA8]  }
0x28: {  	s2 =	sld [smem:$0x3FA9]  }
0x29: {  	s4 =	sld [smem:$0x3FAB]  }
0x2a: {  	p0 =	seq.s32 s5, $0x0;
	s5 =	sld [smem:$0x3FAC]  }
0x2b: {  	s6 =	sld [smem:$0x3FAD]  }
0x2c: {  	s7 =	sld [smem:$0x3FAE]  }
0x2d: {  	s3 =	simm.s32 $0x108;
	s8 =	sld [smem:$0x3FAF]  }
0x2e: {  	s3 =	simm.s32 @!p0 $0x1082;
	s9 =	sld [smem:$0x3FB0]  }
0x2f: {  	lr =	sadd.s32 s0, s3;
	s0 =	sld [smem:$0x3FA7]  }
0x30: {  	s3 =	sld [smem:$0x3FAA]  }
0x31: {  	[smem:$0x3FB3] =	sst s10  }
0x32: {  	s10 =	sld [smem:$0x3FB1];
	_ =	sdelay $0x3  }
0x33: {  	p0 =	seq.s32 s10, $0x1;
	s10 =	sld [smem:$0x3FB3];
	_ =	sdelay $0x3  }
0x34: {  	[smem:$0x3FB3] =	sst s10  }
0x35: {  	s10 =	sld [smem:$0x3FB2];
	_ =	sdelay $0x3  }
0x36: {  	p1 =	seq.s32 s10, $0x1;
	s10 =	sld [smem:$0x3FB3];
	_ =	sdelay $0x3  }
0x37: {  	[smem:$0x3FB3] =	sst s10  }
0x38: {  	s10 =	sld [smem:$0x3FB4]  }
0x39: {  	_ = 	snop;
	(pc) =	sbr.ind lr, $3  }
0x3a: {  	_ = 	snop  }
0x3b: {  	_ = 	snop  }
0x3c: {  	p2 =	seq.s32 s10, $0x1;
	s10 =	sld [smem:$0x3FB3]  }
0x3d: {  	_ =	shalt  }
0x3e: {  	_ =	shalt  }
0x3f: {  	_ =	shalt  }
0x40: {  	_ =	shalt  }
0x41: {  	_ =	shalt  }
0x42: {  	_ =	shalt  }
0x43: {  	_ =	shalt  }
0x44: {  	_ =	shalt  }
0x45: {  	_ =	shalt  }
0x46: {  	_ =	shalt  }
0x47: {  	_ =	shalt  }
0x48: {  	_ =	shalt  }
0x49: {  	_ =	shalt  }
0x4a: {  	_ =	shalt  }
0x4b: {  	_ =	shalt  }
0x4c: {  	_ =	shalt  }
0x4d: {  	_ =	shalt  }
0x4e: {  	_ =	shalt  }
0x4f: {  	_ =	shalt  }
0x50: {  	_ =	shalt  }
0x51: {  	_ =	shalt  }
0x52: {  	_ =	shalt  }
0x53: {  	_ =	shalt  }
0x54: {  	_ =	shalt  }
0x55: {  	_ =	shalt  }
0x56: {  	_ =	shalt  }
0x57: {  	_ =	shalt  }
0x58: {  	_ =	shalt  }
0x59: {  	_ =	shalt  }
0x5a: {  	_ =	shalt  }
0x5b: {  	_ =	shalt  }
0x5c: {  	_ =	shalt  }
0x5d: {  	_ =	shalt  }
0x5e: {  	_ =	shalt  }
0x5f: {  	_ =	shalt  }
0x60: {  	_ =	shalt  }
0x61: {  	_ =	shalt  }
0x62: {  	_ =	shalt  }
0x63: {  	_ =	shalt  }
0x64: {  	_ =	shalt  }
0x65: {  	_ =	shalt  }
0x66: {  	_ =	shalt  }
0x67: {  	_ =	shalt  }
0x68: {  	_ =	shalt  }
0x69: {  	_ =	shalt  }
0x6a: {  	_ =	shalt  }
0x6b: {  	_ =	shalt  }
0x6c: {  	_ =	shalt  }
0x6d: {  	_ =	shalt  }
0x6e: {  	_ =	shalt  }
0x6f: {  	_ =	shalt  }
0x70: {  	_ =	shalt  }
0x71: {  	_ =	shalt  }
0x72: {  	_ =	shalt  }
0x73: {  	_ =	shalt  }
0x74: {  	_ =	shalt  }
0x75: {  	_ =	shalt  }
0x76: {  	_ =	shalt  }
0x77: {  	_ =	shalt  }
0x78: {  	_ =	shalt  }
0x79: {  	_ =	shalt  }
0x7a: {  	_ =	shalt  }
0x7b: {  	_ =	shalt  }
0x7c: {  	_ =	shalt  }
0x7d: {  	_ =	shalt  }
0x7e: {  	_ =	shalt  }
0x7f: {  	_ =	shalt  }
0x80: {  	_ =	shalt  }
0x81: {  	_ =	shalt  }
0x82: {  	_ =	shalt  }
0x83: {  	_ =	shalt  }
0x84: {  	_ =	shalt  }
0x85: {  	_ =	shalt  }
0x86: {  	_ =	shalt  }
0x87: {  	_ =	shalt  }
.Lfunc_end0:
.L_simem_size_0:
called_computation.1_lowered:
.L_overlay_start_0:
0x88: {  	s2 =	sld [smem:$0x3FD9]  }
0x89: {  	s3 =	sld [smem:$0x3FFE];
	_ =	sdelay $0x1  }
0x8a: {  	s1 =	srdreg.scid  }
0x8b: {  	s0 =	sand.u32 $0x1, s1  }
0x8c: {  	s17 =	sshll.u32 s0, $0xA;
	s2 =	sadd.s32 s3, s2  }
0x8d: {  	s2 =	sadd.s32 s2, s17  }
0x8e: {  	[smem:$0x3FBF] =	sst s2  }
0x8f: {  	_ = 	snop  }
0x90: {  	s2 =	sld [smem:$0x3FD0];
	(tm) =	ssettm $0x1  }
0x91: {  	s18 =	sld [smem:$0x3FFB];
	_ =	sdelay $0x3  }
0x92: {  	_ =	strace s18  }
0x93: {  	s3 =	sld [smem:$0x3FFC];
	_ =	sdelay $0x3  }
0x94: {  	_ =	strace s3  }
0x95: {  	s3 =	sld [smem:$0x3FFD];
	_ =	sdelay $0x3  }
0x96: {  	_ =	strace s3  }
0x97: {  	_ =	strace $0x8FFFFFFF  }
0x98: {  	s19 =	sld [smem:$0x3FDB];
	_ =	sdelay $0x1  }
0x99: {  	s4 =	simm.s32 $_scs_section_size  }
0x9a: {  	s5 =	simm.s32 $_size__tile_overlayer_lowered;
	s6 =	simm.s32 $_tile_overlayer_lowered  }
0x9b: {  	s22 =	simm.s32 $0x1BFF;
	s21 =	sshll.u32 s6, $0x1;
	s3 =	sadd.s32 s4, s19  }
0x9c: {  	s7 =	simm.s32 $0x0;
	s20 =	sshll.u32 s5, $0x1;
	s5 =	sadd.s32 s21, s3  }
0x9d: {  	[timem:s7], [sflag:s22] =	dma.local [hbm:s5], s20  }
0x9e: {  	_ =	swait.ge [sflag:s22], s20  }
0x9f: {  	s4 =	ssub.s32 $0x0, s20;
	[sflag:s22] =	ssyncset.done $0x0  }
0xa0: {  	[sflag:s22] =	ssyncadd.s32 s4;
	_ =	sdelay $0x1  }
0xa1: {  	s23 =	simm.s32 $0x1B8B  }
0xa2: {  	_ =	swait.ge [sflag:s23], $0x1  }
0xa3: {  	[sflag:s23] =	ssyncset.done $0x0  }
0xa4: {  	s25 =	simm.s32 $0x1B8E;
	s24 =	sld [smem:$0x3FFE];
	[sflag:s23] =	ssyncadd.s32 $0xFFFFFFFF  }
0xa5: {  	s26 =	simm.s32 $execute0_lowered;
	[smem:$0x3FD2] =	sst s25  }
0xa6: {  	s5 =	sshll.u32 s26, $0x1;
	_ =	strace $0x80000049;
	[dreg:$0x1] =	wrdreg $0xFFFFFFFF  }
0xa7: {  	s28 =	simm.s32 $_size_execute0_lowered;
	s3 =	sadd.s32 s3, s5;
	[dreg:$0x0] =	wrdreg $0x0  }
0xa8: {  	s5 =	sshll.u32 s28, $0x1;
	[dreg:$0x2] =	wrdreg s3  }
0xa9: {  	[dreg:$0x3] =	wrdreg s5  }
0xaa: {  	[dreg:$0x4] =	wrdreg $0xC0  }
0xab: {  	_ =	task [dreg:s7], $0x5FFFF  }
0xac: {  	[dreg:$0x1] =	wrdreg $0xFFFFFFFF  }
0xad: {  	[dreg:$0x0] =	wrdreg $0x60  }
0xae: {  	[dreg:$0x2] =	wrdreg s24  }
0xaf: {  	[dreg:$0x3] =	wrdreg s2  }
0xb0: {  	[dreg:$0x4] =	wrdreg $0xB2000  }
0xb1: {  	[dreg:$0x5] =	wrdreg $0x9  }
0xb2: {  	_ =	task.clear_ibuf [dreg:s7], $0x6FFFF;
	_ =	strace $0x90000049  }
0xb3: {  	s29 =	simm.s32 $0x9;
	_ =	strace $0x8000004B  }
0xb4: {  	_ =	swait.ge [sflag:s29], $0x1  }
0xb5: {  	[sflag:s29] =	ssyncadd.s32 $0xFFFFFFFF  }
0xb6: {  	_ =	strace $0x9000004B  }
0xb7: {  	_ =	sfence  }
0xb8: {  	s30 =	sld [smem:$0x0];
	_ =	sdelay $0x2  }
0xb9: {  	s31 =	sshll.u32 s1, $0xD;
	s1 =	sshrl.u32 s1, $0x2  }
0xba: {  	s3 =	sand.u32 $0x4000, s31;
	s1 =	sadd.s32 s1, s30  }
0xbb: {  	s0 =	sor.u32 s3, s0;
	s1 =	sshll.u32 s1, $0x11  }
0xbc: {  	s0 =	sor.u32 s1, s0  }
0xbd: {  	s0 =	sadd.s32 $0x8F2B, s0  }
0xbe: {  	[sflag:s0] =	ssyncadd.remote.s32 $0x1  }
0xbf: {  	_ =	sfence.sel $0xFFFF  }
0xc0: {  	[dreg:$0x0] =	wrdreg $0xFFFFFFFF;
	(pc) =	sbr.abs _section_cstart, $3  }
0xc1: {  	[dreg:$0x1] =	wrdreg $0xFFFFFFFF  }
0xc2: {  	_ =	task.clear_ibuf [dreg:s7], $0x2FFFF;
	_ =	strace $0x9FFFFFFF  }
0xc3: {  	(tm) =	ssettm $0x7FFFFFFF  }
tec
execute0_lowered:
.L_overlay_start_1:
0x0: {  	(tag) =	ssettag $0x1  }
0x1: {  	s7 =	rddreg [dreg:$0x0]  }
0x2: {  	s11 =	rddreg [dreg:$0x1]  }
0x3: {  	s2 =	rddreg [dreg:$0x2]  }
0x4: {  	s0 =	rddreg [dreg:$0x3]  }
0x5: {  	s3 =	simm.s32 $0x0;
	s1 =	stileid.u32;
	s4 =	srdreg.scid  }
0x6: {  	s20 =	simm.s32 $0x4A00;
	s21 =	simm.s32 $0x1;
	s22 =	simm.s32 $0x4900  }
0x7: {  	s28 =	simm.s32 $0x0;
	[smem:$0x7FF] =	sst s3;
	s10 =	sand.u32 $0x1, s4  }
0x8: {  	s5 =	sshll.u32 s1, $0x1;
	s4 =	sadd.s32 $0x16200, s7;
	s14 =	sadd.s32 $0x72200, s7  }
0x9: {  	s13 =	sadd.s32 $0x70200, s7;
	s6 =	sadd.s32 $0x1E00, s7;
	s9 =	sshll.u32 s1, $0xB  }
0xa: {  	s16 =	sshll.u32 s1, $0xE;
	s26 =	smul.u32 $0xFA0, s1;
	s29 =	sshll.u32 s1, $0x9  }
0xb: {  	_ =	strace $0x8000004A;
	s12 =	sor.u32 s10, s5;
	s5 =	sadd.s32 $0x15A00, s7  }
0xc: {  	s15 =	sadd.s32 s9, s7;
	s23 =	ssub.s32 $0x2, s10;
	s7 =	sadd.s32 s16, s2  }
0xd: {  	s25 =	sshll.u32 s10, $0xF;
	s19 =	smul.u32 $0x7D0, s10;
	s30 =	sand.u32 $0x1800, s29  }
0xe: {  	s16 =	simm.s32 $0x4000;
	s8 =	smul.u32 $0x7D0, s12;
	s24 =	sshrl.u32 s23, $0x1  }
0xf: {  	s15 =	sadd.s32 s25, s15;
	s12 =	sshll.u32 s12, $0x4;
	s11 =	sadd.s32 s11, s30  }
0x10: {  	s25 =	simm.s32 $0x8A00;
	s18 =	ssub.s32 s23, s24;
	s10 =	sadd.s32 $0x2000, s15  }
0x11: {  	s12 =	sand.u32 $0x70, s12;
	s31 =	sadd.s32 s19, s26;
	s19 =	simm.s32 $0x80  }
0x12: {  	s23 =	simm.s32 $0x4980;
	s24 =	simm.s32 $0x50;
	s26 =	simm.s32 $0x400  }
0x13: {  	s8 =	sshrl.u32 s8, $0x3;
	s11 =	sadd.s32 s12, s11;
	s12 =	smax.u32 s18, $0x1  }
0x14: {  	s15 =	sshrl.u32 s31, $0x3;
	s18 =	simm.s32 $0x4880;
	s17 =	sadd.s32 $0xF0, s8  }
0x15: {  	s8 =	sadd.s32 s14, s17;
	s9 =	sadd.s32 s13, s17;
	s13 =	sadd.s32 s15, s13  }
0x16: {  	v0 =	vimm.f32 $1.000000000e+00;
	s14 =	sadd.s32 s15, s14;
	s15 =	simm.s32 $0x2;
	s17 =	simm.s32 $0x4800  }
.LBB2_1:
0x17: {  	[tilespmem:s3], [sflag:$0x2] =	stream.linear.gather [hbm4b:s5+s3], $0x4000, $0x38;
	[tilespmem:$0xF200] =	vst v63  }
0x18: {  	_ =	swait.ge [sflag:s15], $0x4000  }
0x19: {  	[sflag:s15] =	ssyncset.done $0x0  }
0x1a: {  	[sflag:s15] =	ssyncadd.s32 $0xFFFFC000  }
0x1b: {  	[tilespmem:s16], [sflag:$0x2] =	stream.linear.gather [hbm4b:s6+s3], $0x800, $0x38;
	[tilespmem:$0xF200] =	vst v63  }
0x1c: {  	_ =	swait.ge [sflag:s15], $0x800  }
0x1d: {  	[sflag:s15] =	ssyncset.done $0x0  }
0x1e: {  	[sflag:s15] =	ssyncadd.s32 $0xFFFFF800  }
0x1f: {  	[spmem:s7] =	stream.linear.scatter [tilespmem:s3], [sflag:$0x2], $0x4000, $0x38;
	[tilespmem:$0xF200] =	vst v63  }
0x20: {  	_ =	swait.ge [sflag:s15], $0x4000  }
0x21: {  	[sflag:s15] =	ssyncset.done $0x0  }
0x22: {  	[sflag:s15] =	ssyncadd.s32 $0xFFFFC000  }
0x23: {  	s29 =	simm.s32 $0x0;
	[bflag:$0x0] =	sbarrier.arrive $0xFFFF  }
.LBB2_2:
0x24: {  	s30 =	sadd.s32 s29, s14  }
0x25: {  	[tilespmem:s17], [sflag:$0x2] =	stream.linear.gather [hbm4b:s30+s3], $0x80, $0x38;
	[tilespmem:$0xF200] =	vst v63  }
0x26: {  	_ =	swait.ge [sflag:s15], $0x80  }
0x27: {  	[sflag:s15] =	ssyncset.done $0x0  }
0x28: {  	s31 =	sadd.s32 s29, s13;
	[sflag:s15] =	ssyncadd.s32 $0xFFFFFF80  }
0x29: {  	[tilespmem:s18], [sflag:$0x2] =	stream.linear.gather [hbm4b:s31+s3], $0x80, $0x38;
	[tilespmem:$0xF200] =	vst v63  }
0x2a: {  	_ =	swait.ge [sflag:s15], $0x80  }
0x2b: {  	[sflag:s15] =	ssyncset.done $0x0  }
0x2c: {  	[sflag:s15] =	ssyncadd.s32 $0xFFFFFF80  }
0x2d: {  	[tilespmem:s20], [sflag:$0x1] =	stream.indirect.gather [hbm4b:s4+s19], $0x80, s17, s19, $0xb8;
	[tilespmem:$0xF200] =	vst v63  }
0x2e: {  	_ =	swait.ge [sflag:s21], $0x4000  }
0x2f: {  	[sflag:s21] =	ssyncset.done $0x0  }
0x30: {  	[sflag:s21] =	ssyncadd.s32 $0xFFFFC000  }
0x31: {  	[spmem:s2] =	stream.indirect.scatter.add.f32 [tilespmem:s20], [sflag:$0x2], $0x80, s18, s19, $0xb8;
	[tilespmem:$0xF200] =	vst v63  }
0x32: {  	_ =	swait.ge [sflag:s15], $0x4000  }
0x33: {  	[sflag:s15] =	ssyncset.done $0x0  }
0x34: {  	[sflag:s15] =	ssyncadd.s32 $0xFFFFC000  }
0x35: {  	v1 =	vld [tilespmem:$0x4880];
	_ =	sdelay $0x7  }
0x36: {  	[tilespmem:v1+s16+$0x0] =	vst.idx.add.f32.msk $0xffff, v0  }
0x37: {  	v1 =	vld [tilespmem:$0x4890];
	_ =	sdelay $0x7  }
0x38: {  	[tilespmem:v1+s16+$0x0] =	vst.idx.add.f32.msk $0xffff, v0  }
0x39: {  	v1 =	vld [tilespmem:$0x48A0];
	_ =	sdelay $0x7  }
0x3a: {  	[tilespmem:v1+s16+$0x0] =	vst.idx.add.f32.msk $0xffff, v0  }
0x3b: {  	v1 =	vld [tilespmem:$0x48B0];
	_ =	sdelay $0x7  }
0x3c: {  	[tilespmem:v1+s16+$0x0] =	vst.idx.add.f32.msk $0xffff, v0  }
0x3d: {  	v1 =	vld [tilespmem:$0x48C0];
	_ =	sdelay $0x7  }
0x3e: {  	[tilespmem:v1+s16+$0x0] =	vst.idx.add.f32.msk $0xffff, v0  }
0x3f: {  	v1 =	vld [tilespmem:$0x48D0];
	_ =	sdelay $0x7  }
0x40: {  	[tilespmem:v1+s16+$0x0] =	vst.idx.add.f32.msk $0xffff, v0  }
0x41: {  	v1 =	vld [tilespmem:$0x48E0];
	_ =	sdelay $0x7  }
0x42: {  	[tilespmem:v1+s16+$0x0] =	vst.idx.add.f32.msk $0xffff, v0  }
0x43: {  	v1 =	vld [tilespmem:$0x48F0];
	_ =	sdelay $0x2  }
0x44: {  	p0 =	sne.s32 s29, $0xE0  }
.Ltmp0:
0x45: {  	_ = 	snop;
	(pc) =	sbr.rel @p0 .LBB2_2-.Ltmp0, $2  }
0x46: {  	_ =	sdelay $0x2  }
0x47: {  	s29 =	sadd.s32 $0x10, s29;
	[tilespmem:v1+s16+$0x0] =	vst.idx.add.f32.msk $0xffff, v0  }
0x48: {  	[tilespmem:s22], [sflag:$0x2] =	stream.linear.gather [hbm4b:s8+s3], $0x50, $0x38;
	[tilespmem:$0xF200] =	vst v63  }
0x49: {  	_ =	swait.ge [sflag:s15], $0x50  }
0x4a: {  	[sflag:s15] =	ssyncset.done $0x0  }
0x4b: {  	[sflag:s15] =	ssyncadd.s32 $0xFFFFFFB0  }
0x4c: {  	[tilespmem:s23], [sflag:$0x2] =	stream.linear.gather [hbm4b:s9+s3], $0x50, $0x38;
	[tilespmem:$0xF200] =	vst v63  }
0x4d: {  	_ =	swait.ge [sflag:s15], $0x50  }
0x4e: {  	[sflag:s15] =	ssyncset.done $0x0  }
0x4f: {  	[sflag:s15] =	ssyncadd.s32 $0xFFFFFFB0  }
0x50: {  	[tilespmem:s25], [sflag:$0x1] =	stream.indirect.gather [hbm4b:s4+s24], $0x80, s22, s24, $0xb8;
	[tilespmem:$0xF200] =	vst v63  }
0x51: {  	_ =	swait.ge [sflag:s21], $0x2800  }
0x52: {  	[sflag:s21] =	ssyncset.done $0x0  }
0x53: {  	[sflag:s21] =	ssyncadd.s32 $0xFFFFD800  }
0x54: {  	[spmem:s2] =	stream.indirect.scatter.add.f32 [tilespmem:s25], [sflag:$0x2], $0x80, s23, s24, $0xb8;
	[tilespmem:$0xF200] =	vst v63  }
0x55: {  	_ =	swait.ge [sflag:s15], $0x2800  }
0x56: {  	[sflag:s15] =	ssyncset.done $0x0  }
0x57: {  	[sflag:s15] =	ssyncadd.s32 $0xFFFFD800  }
0x58: {  	v1 =	vld [tilespmem:$0x4980];
	_ =	sdelay $0x7  }
0x59: {  	[tilespmem:v1+s16+$0x0] =	vst.idx.add.f32.msk $0xffff, v0  }
0x5a: {  	v1 =	vld [tilespmem:$0x4990];
	_ =	sdelay $0x7  }
0x5b: {  	[tilespmem:v1+s16+$0x0] =	vst.idx.add.f32.msk $0xffff, v0  }
0x5c: {  	v1 =	vld [tilespmem:$0x49A0];
	_ =	sdelay $0x7  }
0x5d: {  	[tilespmem:v1+s16+$0x0] =	vst.idx.add.f32.msk $0xffff, v0  }
0x5e: {  	v1 =	vld [tilespmem:$0x49B0];
	_ =	sdelay $0x7  }
0x5f: {  	[tilespmem:v1+s16+$0x0] =	vst.idx.add.f32.msk $0xffff, v0  }
0x60: {  	v1 =	vld [tilespmem:$0x49C0];
	_ =	sdelay $0x7  }
0x61: {  	s29 =	sshll.u32 s1, $0x6;
	[tilespmem:v1+s16+$0x0] =	vst.idx.add.f32.msk $0xffff, v0  }
0x62: {  	s30 =	sshrl.u32 s7, $0x3;
	s29 =	sor.u32 $0x1C02, s29;
	[bflag:$0x0] =	sbarrier.arrive $0xFFFF  }
0x63: {  	[hbm:s10], [sflag:s29] =	dma.local [spmem:s30], $0x800  }
0x64: {  	s28 =	sadd.s32 $0x1, s28;
	_ =	swait.ge [sflag:s15], $0x800  }
0x65: {  	p0 =	sne.s32 s28, s12;
	[sflag:s15] =	ssyncset.done $0x0  }
.Ltmp1:
0x66: {  	[sflag:s15] =	ssyncadd.s32 $0xFFFFF800;
	(pc) =	sbr.rel @p0 .LBB2_1-.Ltmp1, $4  }
0x67: {  	[hbm4b:s11+s19] =	stream.strided.scatter [tilespmem:s16], [sflag:$0x2], $0x800, s26, s19, $0x38;
	[tilespmem:$0xF200] =	vst v63  }
0x68: {  	_ =	swait.ge [sflag:s15], $0x800  }
0x69: {  	[sflag:s15] =	ssyncset.done $0x0  }
0x6a: {  	[sflag:s15] =	ssyncadd.s32 $0xFFFFF800  }
0x6b: {  	_ =	sfence.sel $0x180000  }
0x6c: {  	[bflag:$0x0] =	sbarrier.arrive $0xFFFF  }
0x6d: {  	p0 =	sne.s32 s1, $0x0;
	_ =	strace $0x9000004A  }
0x6e: {  	s0 =	sadd.s32 @!p0 $0x100000, s0;
	[bflag:$0x2] =	sbarrier.arrive $0xFFFF  }
0x6f: {  	[sflag:s0] =	ssyncadd.tile.s32 @!p0 $0x1;
	_ =	shalt  }
.Lfunc_end2:
_tile_overlayer_lowered:
.L_overlay_start_2:
0x70: {  	(tag) =	ssettag $0x2  }
0x71: {  	s0 =	rddreg [dreg:$0x0];
	s2 =	stileid.u32  }
0x72: {  	s1 =	rddreg [dreg:$0x1];
	p0 =	sne.s32 s2, $0x0  }
0x73: {  	s3 =	rddreg [dreg:$0x2];
	[bflag:$0x3] =	sbarrier.arrive $0xFFFF;
	s2 =	simm.s32 @!p0 $0x1C02  }
0x74: {  	[timem:s3], [sflag:s2] =	dma.local @!p0 [hbm:s0], s1  }
0x75: {  	s0 =	simm.s32 @!p0 $0x2  }
0x76: {  	_ =	swait.ge @!p0 [sflag:s0], s1  }
0x77: {  	s1 =	ssub.s32 @!p0 $0x0, s1;
	[sflag:s0] =	ssyncset.done @!p0 $0x0  }
0x78: {  	[sflag:s0] =	ssyncadd.s32 @!p0 s1  }
0x79: {  	[bflag:$0x3] =	sbarrier.arrive $0xFFFF  }
0x7a: {  	_ =	shalt  }

</sc_bundles>
